<compile_context>
chip_gen: v7x
topology: tpu7x:2x2x1
jax: 0.10.2.dev20260603
libtpu: 0.0.44.dev20260713+nightly
codegen_flags: <defaults>
</compile_context>

<pallas_src>
import jax
import jax.numpy as jnp
from jax import lax
from jax.experimental import pallas as pl
from jax.experimental.pallas import tpu as pltpu
from jax.experimental.pallas import tpu_sc as plsc

_D = 8192
_B = 8192
_NC, _NS = 2, 16
_NW = _NC * _NS
_BPW = _B // _NW
_K = 2
_NCHUNK = _BPW // _K
_NBUF = 4
_NQUAD = _NCHUNK // _NBUF


def _body(table_hbm, idx_hbm, pidx_hbm, out_hbm, idx_v, pidx_v,
          buf0, buf1, buf2, buf3,
          g0, g1, g2, g3, s0, s1, s2, s3):
    bufs = [buf0, buf1, buf2, buf3]
    gsems = [g0, g1, g2, g3]
    ssems = [s0, s1, s2, s3]

    wid = lax.axis_index("s") * _NC + lax.axis_index("c")
    base = wid * _BPW
    pltpu.sync_copy(idx_hbm.at[wid], idx_v)
    pltpu.sync_copy(pidx_hbm.at[wid], pidx_v)

    def gather(c, slot):
        pltpu.async_copy(table_hbm.at[idx_v.at[c]], bufs[slot], gsems[slot])

    def gather_wait(slot):
        pltpu.make_async_copy(
            table_hbm.at[pl.ds(0, _K)], bufs[slot], gsems[slot]).wait()

    def scatter(c, slot):
        pltpu.async_copy(bufs[slot], out_hbm.at[pidx_v.at[c]], ssems[slot])

    def scatter_wait(slot):
        pltpu.make_async_copy(
            bufs[slot], out_hbm.at[pl.ds(base, _K)], ssems[slot]).wait()

    gather(0, 0)
    gather(1, 1)
    gather(2, 2)
    gather_wait(0)
    scatter(0, 0)
    gather(3, 3)
    gather_wait(1)
    scatter(1, 1)
    scatter_wait(0)
    gather(4, 0)
    gather_wait(2)
    scatter(2, 2)
    scatter_wait(1)
    gather(5, 1)
    gather_wait(3)
    scatter(3, 3)
    scatter_wait(2)
    gather(6, 2)

    def quad(q, carry):
        for j in range(_NBUF):
            c = _NBUF * q + j
            slot = j
            prev = (j - 1) % _NBUF
            gather_wait(slot)
            scatter_wait(prev)
            gather(c + 3, prev)
            scatter(c, slot)
        return carry

    lax.fori_loop(1, _NQUAD - 1, quad, 0)

    cb = _NCHUNK - _NBUF
    gather_wait(0)
    scatter(cb + 0, 0)
    scatter_wait(3)
    gather(cb + 3, 3)
    gather_wait(1)
    scatter(cb + 1, 1)
    scatter_wait(0)
    gather_wait(2)
    scatter(cb + 2, 2)
    scatter_wait(1)
    gather_wait(3)
    scatter(cb + 3, 3)
    scatter_wait(2)
    scatter_wait(3)


@jax.jit
def _lookup(table, idx, pidx):
    mesh = plsc.VectorSubcoreMesh(core_axis_name="c", subcore_axis_name="s")
    return pl.kernel(
        _body,
        out_type=jax.ShapeDtypeStruct((_B, _D), jnp.float32),
        mesh=mesh,
        scratch_types=(
            [pltpu.VMEM((_NCHUNK, _K), jnp.int32)] * 2
            + [pltpu.VMEM((_K, _D), jnp.float32)] * _NBUF
            + [pltpu.SemaphoreType.DMA] * (2 * _NBUF)
        ),
    )(table, idx, pidx)


def kernel(inputIndex, targets, tokenEmbeddingTable):
    flat = inputIndex.reshape(-1).astype(jnp.int32)
    perm = jnp.argsort(flat).astype(jnp.int32)
    sidx = jnp.take(flat, perm)
    idx = sidx.reshape(_NW, _NCHUNK, _K)
    pidx = perm.reshape(_NW, _NCHUNK, _K)
    out = _lookup(tokenEmbeddingTable, idx, pidx)
    return out.reshape(inputIndex.shape + (tokenEmbeddingTable.shape[1],))

# --- scband reference (transcript-rebuilt; emitter-appended) ---
"""Pipeline reference for scband-bigram-language-model-55834574848092 (READ-ONLY COPY).

The authoritative reference and input builder live on the scoring server;
editing this copy changes nothing except your own understanding.
"""

import jax, jax.numpy as jnp
import numpy as np


def setup_inputs(seed: int = 0) -> dict:
    key = jax.random.key(seed)
    k1, k2, k3 = jax.random.split(key, 3)
    inputIndex = jax.random.randint(k1, (4, 2048), 0, 8192, dtype=jnp.int64 if jax.config.jax_enable_x64 else jnp.int32)
    targets = jax.random.randint(k2, (4, 2048), 0, 8192, dtype=jnp.int64 if jax.config.jax_enable_x64 else jnp.int32)
    tokenEmbeddingTable = jax.random.normal(k3, (8192, 8192), dtype=jnp.float32)
    return {"inputIndex": inputIndex, "targets": targets, "tokenEmbeddingTable": tokenEmbeddingTable}


def reference(inputIndex, targets, tokenEmbeddingTable):
    # nn.Embedding lookup: logits = table[inputIndex]; targets unused in forward
    logits = jnp.take(tokenEmbeddingTable, inputIndex, axis=0)
    return logits

if __name__ == "__main__":
    import jax
    _d = setup_inputs()
    print(jax.jit(kernel)(*tuple(_d.values())))

</pallas_src>

<mosaic_0001>
#map = affine_map<(d0, d1) -> (0, 0)>
#map1 = affine_map<(d0, d1) -> (0, 0, 0)>
module attributes {stable_mosaic.version = 14 : i64} {
  func.func @_body(%arg0: i32, %arg1: i32, %arg2: memref<8192x8192xf32, #tpu.memory_space<hbm>>, %arg3: memref<32x128x2xi32, #tpu.memory_space<hbm>>, %arg4: memref<32x128x2xi32, #tpu.memory_space<hbm>>, %arg5: memref<8192x8192xf32, #tpu.memory_space<hbm>>, %arg6: memref<128x2xi32, #tpu.memory_space<vmem>>, %arg7: memref<128x2xi32, #tpu.memory_space<vmem>>, %arg8: memref<2x8192xf32, #tpu.memory_space<vmem>>, %arg9: memref<2x8192xf32, #tpu.memory_space<vmem>>, %arg10: memref<2x8192xf32, #tpu.memory_space<vmem>>, %arg11: memref<2x8192xf32, #tpu.memory_space<vmem>>, %arg12: memref<!tpu.dma_semaphore, #tpu.memory_space<semaphore_mem>>, %arg13: memref<!tpu.dma_semaphore, #tpu.memory_space<semaphore_mem>>, %arg14: memref<!tpu.dma_semaphore, #tpu.memory_space<semaphore_mem>>, %arg15: memref<!tpu.dma_semaphore, #tpu.memory_space<semaphore_mem>>, %arg16: memref<!tpu.dma_semaphore, #tpu.memory_space<semaphore_mem>>, %arg17: memref<!tpu.dma_semaphore, #tpu.memory_space<semaphore_mem>>, %arg18: memref<!tpu.dma_semaphore, #tpu.memory_space<semaphore_mem>>, %arg19: memref<!tpu.dma_semaphore, #tpu.memory_space<semaphore_mem>>) attributes {dimension_semantics = [#tpu.dimension_semantics<core_parallel>, #tpu.dimension_semantics<subcore_parallel>], iteration_bounds = array<i64: 2, 16>, scalar_prefetch = 0 : i64, scratch_operands = 14 : i64, tpu.core_type = #tpu.core_type<sc_vector_subcore>, window_params = [{transform_indices = #map}, {transform_indices = #map1}, {transform_indices = #map1}, {transform_indices = #map}]} {
    %mul3A = arith.constant 2 : i32
    %mul3A_0 = arith.muli %arg1, %mul3A : i32
    %add3A = arith.addi %mul3A_0, %arg0 : i32
    %mul3A_1 = arith.constant 256 : i32
    %mul3A_2 = arith.muli %add3A, %mul3A_1 : i32
    "tpu.region"() ({
      %run_scoped3A = tpu.sem_alloc : memref<!tpu.dma_semaphore, #tpu.memory_space<semaphore_mem>>
      %dma_start3A_198 = arith.constant 0 : i32
      %dma_start3A_199 = arith.constant 0 : i32
      %dma_start3A_200 = tpu.memref_slice %arg3[%add3A, %dma_start3A_198, %dma_start3A_199] : memref<32x128x2xi32, #tpu.memory_space<hbm>> -> memref<1x128x2xi32, #tpu.memory_space<hbm>>
      %dma_start3A_201 = tpu.memref_squeeze %dma_start3A_200 : memref<1x128x2xi32, #tpu.memory_space<hbm>> -> memref<128x2xi32, #tpu.memory_space<hbm>>
      %dma_start3A_202 = arith.constant 0 : i32
      %dma_start3A_203 = arith.constant 0 : i32
      %dma_start3A_204 = tpu.memref_slice %arg3[%add3A, %dma_start3A_202, %dma_start3A_203] : memref<32x128x2xi32, #tpu.memory_space<hbm>> -> memref<1x128x2xi32, #tpu.memory_space<hbm>>
      %dma_start3A_205 = tpu.memref_squeeze %dma_start3A_204 : memref<1x128x2xi32, #tpu.memory_space<hbm>> -> memref<128x2xi32, #tpu.memory_space<hbm>>
      tpu.enqueue_dma source(%dma_start3A_205 : memref<128x2xi32, #tpu.memory_space<hbm>>) target(%arg6 : memref<128x2xi32, #tpu.memory_space<vmem>>) target_semaphore(%run_scoped3A : memref<!tpu.dma_semaphore, #tpu.memory_space<semaphore_mem>>)
      %dma_wait3A_206 = arith.constant 0 : i32
      %dma_wait3A_207 = arith.constant 0 : i32
      %dma_wait3A_208 = tpu.memref_slice %arg3[%add3A, %dma_wait3A_206, %dma_wait3A_207] : memref<32x128x2xi32, #tpu.memory_space<hbm>> -> memref<1x128x2xi32, #tpu.memory_space<hbm>>
      %dma_wait3A_209 = tpu.memref_squeeze %dma_wait3A_208 : memref<1x128x2xi32, #tpu.memory_space<hbm>> -> memref<128x2xi32, #tpu.memory_space<hbm>>
      %dma_wait3A_210 = arith.constant 0 : i32
      %dma_wait3A_211 = arith.constant 0 : i32
      %dma_wait3A_212 = tpu.memref_slice %arg3[%add3A, %dma_wait3A_210, %dma_wait3A_211] : memref<32x128x2xi32, #tpu.memory_space<hbm>> -> memref<1x128x2xi32, #tpu.memory_space<hbm>>
      %dma_wait3A_213 = tpu.memref_squeeze %dma_wait3A_212 : memref<1x128x2xi32, #tpu.memory_space<hbm>> -> memref<128x2xi32, #tpu.memory_space<hbm>>
      tpu.wait_dma2 semaphore(%run_scoped3A : memref<!tpu.dma_semaphore, #tpu.memory_space<semaphore_mem>>) src(%dma_wait3A_213 : memref<128x2xi32, #tpu.memory_space<hbm>>) dst(%arg6 : memref<128x2xi32, #tpu.memory_space<vmem>>)
      tpu.yield
    }) : () -> ()
    "tpu.region"() ({
      %run_scoped3A = tpu.sem_alloc : memref<!tpu.dma_semaphore, #tpu.memory_space<semaphore_mem>>
      %dma_start3A_198 = arith.constant 0 : i32
      %dma_start3A_199 = arith.constant 0 : i32
      %dma_start3A_200 = tpu.memref_slice %arg4[%add3A, %dma_start3A_198, %dma_start3A_199] : memref<32x128x2xi32, #tpu.memory_space<hbm>> -> memref<1x128x2xi32, #tpu.memory_space<hbm>>
      %dma_start3A_201 = tpu.memref_squeeze %dma_start3A_200 : memref<1x128x2xi32, #tpu.memory_space<hbm>> -> memref<128x2xi32, #tpu.memory_space<hbm>>
      %dma_start3A_202 = arith.constant 0 : i32
      %dma_start3A_203 = arith.constant 0 : i32
      %dma_start3A_204 = tpu.memref_slice %arg4[%add3A, %dma_start3A_202, %dma_start3A_203] : memref<32x128x2xi32, #tpu.memory_space<hbm>> -> memref<1x128x2xi32, #tpu.memory_space<hbm>>
      %dma_start3A_205 = tpu.memref_squeeze %dma_start3A_204 : memref<1x128x2xi32, #tpu.memory_space<hbm>> -> memref<128x2xi32, #tpu.memory_space<hbm>>
      tpu.enqueue_dma source(%dma_start3A_205 : memref<128x2xi32, #tpu.memory_space<hbm>>) target(%arg7 : memref<128x2xi32, #tpu.memory_space<vmem>>) target_semaphore(%run_scoped3A : memref<!tpu.dma_semaphore, #tpu.memory_space<semaphore_mem>>)
      %dma_wait3A_206 = arith.constant 0 : i32
      %dma_wait3A_207 = arith.constant 0 : i32
      %dma_wait3A_208 = tpu.memref_slice %arg4[%add3A, %dma_wait3A_206, %dma_wait3A_207] : memref<32x128x2xi32, #tpu.memory_space<hbm>> -> memref<1x128x2xi32, #tpu.memory_space<hbm>>
      %dma_wait3A_209 = tpu.memref_squeeze %dma_wait3A_208 : memref<1x128x2xi32, #tpu.memory_space<hbm>> -> memref<128x2xi32, #tpu.memory_space<hbm>>
      %dma_wait3A_210 = arith.constant 0 : i32
      %dma_wait3A_211 = arith.constant 0 : i32
      %dma_wait3A_212 = tpu.memref_slice %arg4[%add3A, %dma_wait3A_210, %dma_wait3A_211] : memref<32x128x2xi32, #tpu.memory_space<hbm>> -> memref<1x128x2xi32, #tpu.memory_space<hbm>>
      %dma_wait3A_213 = tpu.memref_squeeze %dma_wait3A_212 : memref<1x128x2xi32, #tpu.memory_space<hbm>> -> memref<128x2xi32, #tpu.memory_space<hbm>>
      tpu.wait_dma2 semaphore(%run_scoped3A : memref<!tpu.dma_semaphore, #tpu.memory_space<semaphore_mem>>) src(%dma_wait3A_213 : memref<128x2xi32, #tpu.memory_space<hbm>>) dst(%arg7 : memref<128x2xi32, #tpu.memory_space<vmem>>)
      tpu.yield
    }) : () -> ()
    %dma_start3A = arith.constant 0 : i32
    %dma_start3A_3 = arith.constant 0 : i32
    %dma_start3A_4 = tpu.memref_slice %arg6[%dma_start3A, %dma_start3A_3] : memref<128x2xi32, #tpu.memory_space<vmem>> -> memref<1x2xi32, #tpu.memory_space<vmem>>
    %dma_start3A_5 = tpu.memref_squeeze %dma_start3A_4 : memref<1x2xi32, #tpu.memory_space<vmem>> -> memref<2xi32, #tpu.memory_space<vmem>>
    %dma_start3A_6 = arith.constant 0 : i32
    %dma_start3A_7 = arith.constant 0 : i32
    %dma_start3A_8 = tpu.memref_slice %arg2[%dma_start3A_6, %dma_start3A_7] : memref<8192x8192xf32, #tpu.memory_space<hbm>> -> memref<8192x8192xf32, #tpu.memory_space<hbm>>
    tpu.enqueue_indirect_dma source(%dma_start3A_8 : memref<8192x8192xf32, #tpu.memory_space<hbm>>) target(%arg8 : memref<2x8192xf32, #tpu.memory_space<vmem>>) offsets(%dma_start3A_5 : memref<2xi32, #tpu.memory_space<vmem>>) semaphore(%arg12 : memref<!tpu.dma_semaphore, #tpu.memory_space<semaphore_mem>>)
    %dma_start3A_9 = arith.constant 1 : i32
    %dma_start3A_10 = arith.constant 0 : i32
    %dma_start3A_11 = tpu.memref_slice %arg6[%dma_start3A_9, %dma_start3A_10] : memref<128x2xi32, #tpu.memory_space<vmem>> -> memref<1x2xi32, #tpu.memory_space<vmem>>
    %dma_start3A_12 = tpu.memref_squeeze %dma_start3A_11 : memref<1x2xi32, #tpu.memory_space<vmem>> -> memref<2xi32, #tpu.memory_space<vmem>>
    %dma_start3A_13 = arith.constant 0 : i32
    %dma_start3A_14 = arith.constant 0 : i32
    %dma_start3A_15 = tpu.memref_slice %arg2[%dma_start3A_13, %dma_start3A_14] : memref<8192x8192xf32, #tpu.memory_space<hbm>> -> memref<8192x8192xf32, #tpu.memory_space<hbm>>
    tpu.enqueue_indirect_dma source(%dma_start3A_15 : memref<8192x8192xf32, #tpu.memory_space<hbm>>) target(%arg9 : memref<2x8192xf32, #tpu.memory_space<vmem>>) offsets(%dma_start3A_12 : memref<2xi32, #tpu.memory_space<vmem>>) semaphore(%arg13 : memref<!tpu.dma_semaphore, #tpu.memory_space<semaphore_mem>>)
    %dma_start3A_16 = arith.constant 2 : i32
    %dma_start3A_17 = arith.constant 0 : i32
    %dma_start3A_18 = tpu.memref_slice %arg6[%dma_start3A_16, %dma_start3A_17] : memref<128x2xi32, #tpu.memory_space<vmem>> -> memref<1x2xi32, #tpu.memory_space<vmem>>
    %dma_start3A_19 = tpu.memref_squeeze %dma_start3A_18 : memref<1x2xi32, #tpu.memory_space<vmem>> -> memref<2xi32, #tpu.memory_space<vmem>>
    %dma_start3A_20 = arith.constant 0 : i32
    %dma_start3A_21 = arith.constant 0 : i32
    %dma_start3A_22 = tpu.memref_slice %arg2[%dma_start3A_20, %dma_start3A_21] : memref<8192x8192xf32, #tpu.memory_space<hbm>> -> memref<8192x8192xf32, #tpu.memory_space<hbm>>
    tpu.enqueue_indirect_dma source(%dma_start3A_22 : memref<8192x8192xf32, #tpu.memory_space<hbm>>) target(%arg10 : memref<2x8192xf32, #tpu.memory_space<vmem>>) offsets(%dma_start3A_19 : memref<2xi32, #tpu.memory_space<vmem>>) semaphore(%arg14 : memref<!tpu.dma_semaphore, #tpu.memory_space<semaphore_mem>>)
    %dma_wait3A = arith.constant 0 : i32
    %dma_wait3A_23 = arith.constant 0 : i32
    %dma_wait3A_24 = tpu.memref_slice %arg2[%dma_wait3A, %dma_wait3A_23] : memref<8192x8192xf32, #tpu.memory_space<hbm>> -> memref<2x8192xf32, #tpu.memory_space<hbm>>
    %dma_wait3A_25 = arith.constant 0 : i32
    %dma_wait3A_26 = arith.constant 0 : i32
    %dma_wait3A_27 = tpu.memref_slice %arg2[%dma_wait3A_25, %dma_wait3A_26] : memref<8192x8192xf32, #tpu.memory_space<hbm>> -> memref<2x8192xf32, #tpu.memory_space<hbm>>
    tpu.wait_dma2 semaphore(%arg12 : memref<!tpu.dma_semaphore, #tpu.memory_space<semaphore_mem>>) src(%dma_wait3A_27 : memref<2x8192xf32, #tpu.memory_space<hbm>>) dst(%arg8 : memref<2x8192xf32, #tpu.memory_space<vmem>>)
    %dma_start3A_28 = arith.constant 0 : i32
    %dma_start3A_29 = arith.constant 0 : i32
    %dma_start3A_30 = tpu.memref_slice %arg7[%dma_start3A_28, %dma_start3A_29] : memref<128x2xi32, #tpu.memory_space<vmem>> -> memref<1x2xi32, #tpu.memory_space<vmem>>
    %dma_start3A_31 = tpu.memref_squeeze %dma_start3A_30 : memref<1x2xi32, #tpu.memory_space<vmem>> -> memref<2xi32, #tpu.memory_space<vmem>>
    %dma_start3A_32 = arith.constant 0 : i32
    %dma_start3A_33 = arith.constant 0 : i32
    %dma_start3A_34 = tpu.memref_slice %arg5[%dma_start3A_32, %dma_start3A_33] : memref<8192x8192xf32, #tpu.memory_space<hbm>> -> memref<8192x8192xf32, #tpu.memory_space<hbm>>
    tpu.enqueue_indirect_dma source(%arg8 : memref<2x8192xf32, #tpu.memory_space<vmem>>) target(%dma_start3A_34 : memref<8192x8192xf32, #tpu.memory_space<hbm>>) offsets(%dma_start3A_31 : memref<2xi32, #tpu.memory_space<vmem>>) semaphore(%arg16 : memref<!tpu.dma_semaphore, #tpu.memory_space<semaphore_mem>>)
    %dma_start3A_35 = arith.constant 3 : i32
    %dma_start3A_36 = arith.constant 0 : i32
    %dma_start3A_37 = tpu.memref_slice %arg6[%dma_start3A_35, %dma_start3A_36] : memref<128x2xi32, #tpu.memory_space<vmem>> -> memref<1x2xi32, #tpu.memory_space<vmem>>
    %dma_start3A_38 = tpu.memref_squeeze %dma_start3A_37 : memref<1x2xi32, #tpu.memory_space<vmem>> -> memref<2xi32, #tpu.memory_space<vmem>>
    %dma_start3A_39 = arith.constant 0 : i32
    %dma_start3A_40 = arith.constant 0 : i32
    %dma_start3A_41 = tpu.memref_slice %arg2[%dma_start3A_39, %dma_start3A_40] : memref<8192x8192xf32, #tpu.memory_space<hbm>> -> memref<8192x8192xf32, #tpu.memory_space<hbm>>
    tpu.enqueue_indirect_dma source(%dma_start3A_41 : memref<8192x8192xf32, #tpu.memory_space<hbm>>) target(%arg11 : memref<2x8192xf32, #tpu.memory_space<vmem>>) offsets(%dma_start3A_38 : memref<2xi32, #tpu.memory_space<vmem>>) semaphore(%arg15 : memref<!tpu.dma_semaphore, #tpu.memory_space<semaphore_mem>>)
    %dma_wait3A_42 = arith.constant 0 : i32
    %dma_wait3A_43 = arith.constant 0 : i32
    %dma_wait3A_44 = tpu.memref_slice %arg2[%dma_wait3A_42, %dma_wait3A_43] : memref<8192x8192xf32, #tpu.memory_space<hbm>> -> memref<2x8192xf32, #tpu.memory_space<hbm>>
    %dma_wait3A_45 = arith.constant 0 : i32
    %dma_wait3A_46 = arith.constant 0 : i32
    %dma_wait3A_47 = tpu.memref_slice %arg2[%dma_wait3A_45, %dma_wait3A_46] : memref<8192x8192xf32, #tpu.memory_space<hbm>> -> memref<2x8192xf32, #tpu.memory_space<hbm>>
    tpu.wait_dma2 semaphore(%arg13 : memref<!tpu.dma_semaphore, #tpu.memory_space<semaphore_mem>>) src(%dma_wait3A_47 : memref<2x8192xf32, #tpu.memory_space<hbm>>) dst(%arg9 : memref<2x8192xf32, #tpu.memory_space<vmem>>)
    %dma_start3A_48 = arith.constant 1 : i32
    %dma_start3A_49 = arith.constant 0 : i32
    %dma_start3A_50 = tpu.memref_slice %arg7[%dma_start3A_48, %dma_start3A_49] : memref<128x2xi32, #tpu.memory_space<vmem>> -> memref<1x2xi32, #tpu.memory_space<vmem>>
    %dma_start3A_51 = tpu.memref_squeeze %dma_start3A_50 : memref<1x2xi32, #tpu.memory_space<vmem>> -> memref<2xi32, #tpu.memory_space<vmem>>
    %dma_start3A_52 = arith.constant 0 : i32
    %dma_start3A_53 = arith.constant 0 : i32
    %dma_start3A_54 = tpu.memref_slice %arg5[%dma_start3A_52, %dma_start3A_53] : memref<8192x8192xf32, #tpu.memory_space<hbm>> -> memref<8192x8192xf32, #tpu.memory_space<hbm>>
    tpu.enqueue_indirect_dma source(%arg9 : memref<2x8192xf32, #tpu.memory_space<vmem>>) target(%dma_start3A_54 : memref<8192x8192xf32, #tpu.memory_space<hbm>>) offsets(%dma_start3A_51 : memref<2xi32, #tpu.memory_space<vmem>>) semaphore(%arg17 : memref<!tpu.dma_semaphore, #tpu.memory_space<semaphore_mem>>)
    %dma_wait3A_55 = arith.constant 0 : i32
    %dma_wait3A_56 = tpu.memref_slice %arg5[%mul3A_2, %dma_wait3A_55] : memref<8192x8192xf32, #tpu.memory_space<hbm>> -> memref<2x8192xf32, #tpu.memory_space<hbm>>
    %dma_wait3A_57 = arith.constant 0 : i32
    %dma_wait3A_58 = tpu.memref_slice %arg5[%mul3A_2, %dma_wait3A_57] : memref<8192x8192xf32, #tpu.memory_space<hbm>> -> memref<2x8192xf32, #tpu.memory_space<hbm>>
    tpu.wait_dma2 semaphore(%arg16 : memref<!tpu.dma_semaphore, #tpu.memory_space<semaphore_mem>>) src(%arg8 : memref<2x8192xf32, #tpu.memory_space<vmem>>) dst(%dma_wait3A_58 : memref<2x8192xf32, #tpu.memory_space<hbm>>)
    %dma_start3A_59 = arith.constant 4 : i32
    %dma_start3A_60 = arith.constant 0 : i32
    %dma_start3A_61 = tpu.memref_slice %arg6[%dma_start3A_59, %dma_start3A_60] : memref<128x2xi32, #tpu.memory_space<vmem>> -> memref<1x2xi32, #tpu.memory_space<vmem>>
    %dma_start3A_62 = tpu.memref_squeeze %dma_start3A_61 : memref<1x2xi32, #tpu.memory_space<vmem>> -> memref<2xi32, #tpu.memory_space<vmem>>
    %dma_start3A_63 = arith.constant 0 : i32
    %dma_start3A_64 = arith.constant 0 : i32
    %dma_start3A_65 = tpu.memref_slice %arg2[%dma_start3A_63, %dma_start3A_64] : memref<8192x8192xf32, #tpu.memory_space<hbm>> -> memref<8192x8192xf32, #tpu.memory_space<hbm>>
    tpu.enqueue_indirect_dma source(%dma_start3A_65 : memref<8192x8192xf32, #tpu.memory_space<hbm>>) target(%arg8 : memref<2x8192xf32, #tpu.memory_space<vmem>>) offsets(%dma_start3A_62 : memref<2xi32, #tpu.memory_space<vmem>>) semaphore(%arg12 : memref<!tpu.dma_semaphore, #tpu.memory_space<semaphore_mem>>)
    %dma_wait3A_66 = arith.constant 0 : i32
    %dma_wait3A_67 = arith.constant 0 : i32
    %dma_wait3A_68 = tpu.memref_slice %arg2[%dma_wait3A_66, %dma_wait3A_67] : memref<8192x8192xf32, #tpu.memory_space<hbm>> -> memref<2x8192xf32, #tpu.memory_space<hbm>>
    %dma_wait3A_69 = arith.constant 0 : i32
    %dma_wait3A_70 = arith.constant 0 : i32
    %dma_wait3A_71 = tpu.memref_slice %arg2[%dma_wait3A_69, %dma_wait3A_70] : memref<8192x8192xf32, #tpu.memory_space<hbm>> -> memref<2x8192xf32, #tpu.memory_space<hbm>>
    tpu.wait_dma2 semaphore(%arg14 : memref<!tpu.dma_semaphore, #tpu.memory_space<semaphore_mem>>) src(%dma_wait3A_71 : memref<2x8192xf32, #tpu.memory_space<hbm>>) dst(%arg10 : memref<2x8192xf32, #tpu.memory_space<vmem>>)
    %dma_start3A_72 = arith.constant 2 : i32
    %dma_start3A_73 = arith.constant 0 : i32
    %dma_start3A_74 = tpu.memref_slice %arg7[%dma_start3A_72, %dma_start3A_73] : memref<128x2xi32, #tpu.memory_space<vmem>> -> memref<1x2xi32, #tpu.memory_space<vmem>>
    %dma_start3A_75 = tpu.memref_squeeze %dma_start3A_74 : memref<1x2xi32, #tpu.memory_space<vmem>> -> memref<2xi32, #tpu.memory_space<vmem>>
    %dma_start3A_76 = arith.constant 0 : i32
    %dma_start3A_77 = arith.constant 0 : i32
    %dma_start3A_78 = tpu.memref_slice %arg5[%dma_start3A_76, %dma_start3A_77] : memref<8192x8192xf32, #tpu.memory_space<hbm>> -> memref<8192x8192xf32, #tpu.memory_space<hbm>>
    tpu.enqueue_indirect_dma source(%arg10 : memref<2x8192xf32, #tpu.memory_space<vmem>>) target(%dma_start3A_78 : memref<8192x8192xf32, #tpu.memory_space<hbm>>) offsets(%dma_start3A_75 : memref<2xi32, #tpu.memory_space<vmem>>) semaphore(%arg18 : memref<!tpu.dma_semaphore, #tpu.memory_space<semaphore_mem>>)
    %dma_wait3A_79 = arith.constant 0 : i32
    %dma_wait3A_80 = tpu.memref_slice %arg5[%mul3A_2, %dma_wait3A_79] : memref<8192x8192xf32, #tpu.memory_space<hbm>> -> memref<2x8192xf32, #tpu.memory_space<hbm>>
    %dma_wait3A_81 = arith.constant 0 : i32
    %dma_wait3A_82 = tpu.memref_slice %arg5[%mul3A_2, %dma_wait3A_81] : memref<8192x8192xf32, #tpu.memory_space<hbm>> -> memref<2x8192xf32, #tpu.memory_space<hbm>>
    tpu.wait_dma2 semaphore(%arg17 : memref<!tpu.dma_semaphore, #tpu.memory_space<semaphore_mem>>) src(%arg9 : memref<2x8192xf32, #tpu.memory_space<vmem>>) dst(%dma_wait3A_82 : memref<2x8192xf32, #tpu.memory_space<hbm>>)
    %dma_start3A_83 = arith.constant 5 : i32
    %dma_start3A_84 = arith.constant 0 : i32
    %dma_start3A_85 = tpu.memref_slice %arg6[%dma_start3A_83, %dma_start3A_84] : memref<128x2xi32, #tpu.memory_space<vmem>> -> memref<1x2xi32, #tpu.memory_space<vmem>>
    %dma_start3A_86 = tpu.memref_squeeze %dma_start3A_85 : memref<1x2xi32, #tpu.memory_space<vmem>> -> memref<2xi32, #tpu.memory_space<vmem>>
    %dma_start3A_87 = arith.constant 0 : i32
    %dma_start3A_88 = arith.constant 0 : i32
    %dma_start3A_89 = tpu.memref_slice %arg2[%dma_start3A_87, %dma_start3A_88] : memref<8192x8192xf32, #tpu.memory_space<hbm>> -> memref<8192x8192xf32, #tpu.memory_space<hbm>>
    tpu.enqueue_indirect_dma source(%dma_start3A_89 : memref<8192x8192xf32, #tpu.memory_space<hbm>>) target(%arg9 : memref<2x8192xf32, #tpu.memory_space<vmem>>) offsets(%dma_start3A_86 : memref<2xi32, #tpu.memory_space<vmem>>) semaphore(%arg13 : memref<!tpu.dma_semaphore, #tpu.memory_space<semaphore_mem>>)
    %dma_wait3A_90 = arith.constant 0 : i32
    %dma_wait3A_91 = arith.constant 0 : i32
    %dma_wait3A_92 = tpu.memref_slice %arg2[%dma_wait3A_90, %dma_wait3A_91] : memref<8192x8192xf32, #tpu.memory_space<hbm>> -> memref<2x8192xf32, #tpu.memory_space<hbm>>
    %dma_wait3A_93 = arith.constant 0 : i32
    %dma_wait3A_94 = arith.constant 0 : i32
    %dma_wait3A_95 = tpu.memref_slice %arg2[%dma_wait3A_93, %dma_wait3A_94] : memref<8192x8192xf32, #tpu.memory_space<hbm>> -> memref<2x8192xf32, #tpu.memory_space<hbm>>
    tpu.wait_dma2 semaphore(%arg15 : memref<!tpu.dma_semaphore, #tpu.memory_space<semaphore_mem>>) src(%dma_wait3A_95 : memref<2x8192xf32, #tpu.memory_space<hbm>>) dst(%arg11 : memref<2x8192xf32, #tpu.memory_space<vmem>>)
    %dma_start3A_96 = arith.constant 3 : i32
    %dma_start3A_97 = arith.constant 0 : i32
    %dma_start3A_98 = tpu.memref_slice %arg7[%dma_start3A_96, %dma_start3A_97] : memref<128x2xi32, #tpu.memory_space<vmem>> -> memref<1x2xi32, #tpu.memory_space<vmem>>
    %dma_start3A_99 = tpu.memref_squeeze %dma_start3A_98 : memref<1x2xi32, #tpu.memory_space<vmem>> -> memref<2xi32, #tpu.memory_space<vmem>>
    %dma_start3A_100 = arith.constant 0 : i32
    %dma_start3A_101 = arith.constant 0 : i32
    %dma_start3A_102 = tpu.memref_slice %arg5[%dma_start3A_100, %dma_start3A_101] : memref<8192x8192xf32, #tpu.memory_space<hbm>> -> memref<8192x8192xf32, #tpu.memory_space<hbm>>
    tpu.enqueue_indirect_dma source(%arg11 : memref<2x8192xf32, #tpu.memory_space<vmem>>) target(%dma_start3A_102 : memref<8192x8192xf32, #tpu.memory_space<hbm>>) offsets(%dma_start3A_99 : memref<2xi32, #tpu.memory_space<vmem>>) semaphore(%arg19 : memref<!tpu.dma_semaphore, #tpu.memory_space<semaphore_mem>>)
    %dma_wait3A_103 = arith.constant 0 : i32
    %dma_wait3A_104 = tpu.memref_slice %arg5[%mul3A_2, %dma_wait3A_103] : memref<8192x8192xf32, #tpu.memory_space<hbm>> -> memref<2x8192xf32, #tpu.memory_space<hbm>>
    %dma_wait3A_105 = arith.constant 0 : i32
    %dma_wait3A_106 = tpu.memref_slice %arg5[%mul3A_2, %dma_wait3A_105] : memref<8192x8192xf32, #tpu.memory_space<hbm>> -> memref<2x8192xf32, #tpu.memory_space<hbm>>
    tpu.wait_dma2 semaphore(%arg18 : memref<!tpu.dma_semaphore, #tpu.memory_space<semaphore_mem>>) src(%arg10 : memref<2x8192xf32, #tpu.memory_space<vmem>>) dst(%dma_wait3A_106 : memref<2x8192xf32, #tpu.memory_space<hbm>>)
    %dma_start3A_107 = arith.constant 6 : i32
    %dma_start3A_108 = arith.constant 0 : i32
    %dma_start3A_109 = tpu.memref_slice %arg6[%dma_start3A_107, %dma_start3A_108] : memref<128x2xi32, #tpu.memory_space<vmem>> -> memref<1x2xi32, #tpu.memory_space<vmem>>
    %dma_start3A_110 = tpu.memref_squeeze %dma_start3A_109 : memref<1x2xi32, #tpu.memory_space<vmem>> -> memref<2xi32, #tpu.memory_space<vmem>>
    %dma_start3A_111 = arith.constant 0 : i32
    %dma_start3A_112 = arith.constant 0 : i32
    %dma_start3A_113 = tpu.memref_slice %arg2[%dma_start3A_111, %dma_start3A_112] : memref<8192x8192xf32, #tpu.memory_space<hbm>> -> memref<8192x8192xf32, #tpu.memory_space<hbm>>
    tpu.enqueue_indirect_dma source(%dma_start3A_113 : memref<8192x8192xf32, #tpu.memory_space<hbm>>) target(%arg10 : memref<2x8192xf32, #tpu.memory_space<vmem>>) offsets(%dma_start3A_110 : memref<2xi32, #tpu.memory_space<vmem>>) semaphore(%arg14 : memref<!tpu.dma_semaphore, #tpu.memory_space<semaphore_mem>>)
    %scan3A = arith.constant 0 : i32
    %scan3A_114 = arith.constant 1 : i32
    %scan3A_115 = arith.constant 30 : i32
    %scan3A_116 = arith.addi %scan3A_114, %scan3A_115 : i32
    %scan3A_117 = arith.constant 1 : i32
    scf.for %scan3A_198 = %scan3A_114 to %scan3A_116 step %scan3A_117  : i32 {
      %mul3A_199 = arith.constant 4 : i32
      %mul3A_200 = arith.muli %mul3A_199, %scan3A_198 : i32
      %add3A_201 = arith.constant 0 : i32
      %add3A_202 = arith.addi %mul3A_200, %add3A_201 : i32
      %dma_wait3A_203 = arith.constant 0 : i32
      %dma_wait3A_204 = arith.constant 0 : i32
      %dma_wait3A_205 = tpu.memref_slice %arg2[%dma_wait3A_203, %dma_wait3A_204] : memref<8192x8192xf32, #tpu.memory_space<hbm>> -> memref<2x8192xf32, #tpu.memory_space<hbm>>
      %dma_wait3A_206 = arith.constant 0 : i32
      %dma_wait3A_207 = arith.constant 0 : i32
      %dma_wait3A_208 = tpu.memref_slice %arg2[%dma_wait3A_206, %dma_wait3A_207] : memref<8192x8192xf32, #tpu.memory_space<hbm>> -> memref<2x8192xf32, #tpu.memory_space<hbm>>
      tpu.wait_dma2 semaphore(%arg12 : memref<!tpu.dma_semaphore, #tpu.memory_space<semaphore_mem>>) src(%dma_wait3A_208 : memref<2x8192xf32, #tpu.memory_space<hbm>>) dst(%arg8 : memref<2x8192xf32, #tpu.memory_space<vmem>>)
      %dma_wait3A_209 = arith.constant 0 : i32
      %dma_wait3A_210 = tpu.memref_slice %arg5[%mul3A_2, %dma_wait3A_209] : memref<8192x8192xf32, #tpu.memory_space<hbm>> -> memref<2x8192xf32, #tpu.memory_space<hbm>>
      %dma_wait3A_211 = arith.constant 0 : i32
      %dma_wait3A_212 = tpu.memref_slice %arg5[%mul3A_2, %dma_wait3A_211] : memref<8192x8192xf32, #tpu.memory_space<hbm>> -> memref<2x8192xf32, #tpu.memory_space<hbm>>
      tpu.wait_dma2 semaphore(%arg19 : memref<!tpu.dma_semaphore, #tpu.memory_space<semaphore_mem>>) src(%arg11 : memref<2x8192xf32, #tpu.memory_space<vmem>>) dst(%dma_wait3A_212 : memref<2x8192xf32, #tpu.memory_space<hbm>>)
      %add3A_213 = arith.constant 3 : i32
      %add3A_214 = arith.addi %add3A_202, %add3A_213 : i32
      %dma_start3A_215 = arith.constant 0 : i32
      %dma_start3A_216 = tpu.memref_slice %arg6[%add3A_214, %dma_start3A_215] : memref<128x2xi32, #tpu.memory_space<vmem>> -> memref<1x2xi32, #tpu.memory_space<vmem>>
      %dma_start3A_217 = tpu.memref_squeeze %dma_start3A_216 : memref<1x2xi32, #tpu.memory_space<vmem>> -> memref<2xi32, #tpu.memory_space<vmem>>
      %dma_start3A_218 = arith.constant 0 : i32
      %dma_start3A_219 = arith.constant 0 : i32
      %dma_start3A_220 = tpu.memref_slice %arg2[%dma_start3A_218, %dma_start3A_219] : memref<8192x8192xf32, #tpu.memory_space<hbm>> -> memref<8192x8192xf32, #tpu.memory_space<hbm>>
      tpu.enqueue_indirect_dma source(%dma_start3A_220 : memref<8192x8192xf32, #tpu.memory_space<hbm>>) target(%arg11 : memref<2x8192xf32, #tpu.memory_space<vmem>>) offsets(%dma_start3A_217 : memref<2xi32, #tpu.memory_space<vmem>>) semaphore(%arg15 : memref<!tpu.dma_semaphore, #tpu.memory_space<semaphore_mem>>)
      %dma_start3A_221 = arith.constant 0 : i32
      %dma_start3A_222 = tpu.memref_slice %arg7[%add3A_202, %dma_start3A_221] : memref<128x2xi32, #tpu.memory_space<vmem>> -> memref<1x2xi32, #tpu.memory_space<vmem>>
      %dma_start3A_223 = tpu.memref_squeeze %dma_start3A_222 : memref<1x2xi32, #tpu.memory_space<vmem>> -> memref<2xi32, #tpu.memory_space<vmem>>
      %dma_start3A_224 = arith.constant 0 : i32
      %dma_start3A_225 = arith.constant 0 : i32
      %dma_start3A_226 = tpu.memref_slice %arg5[%dma_start3A_224, %dma_start3A_225] : memref<8192x8192xf32, #tpu.memory_space<hbm>> -> memref<8192x8192xf32, #tpu.memory_space<hbm>>
      tpu.enqueue_indirect_dma source(%arg8 : memref<2x8192xf32, #tpu.memory_space<vmem>>) target(%dma_start3A_226 : memref<8192x8192xf32, #tpu.memory_space<hbm>>) offsets(%dma_start3A_223 : memref<2xi32, #tpu.memory_space<vmem>>) semaphore(%arg16 : memref<!tpu.dma_semaphore, #tpu.memory_space<semaphore_mem>>)
      %mul3A_227 = arith.constant 4 : i32
      %mul3A_228 = arith.muli %mul3A_227, %scan3A_198 : i32
      %add3A_229 = arith.constant 1 : i32
      %add3A_230 = arith.addi %mul3A_228, %add3A_229 : i32
      %dma_wait3A_231 = arith.constant 0 : i32
      %dma_wait3A_232 = arith.constant 0 : i32
      %dma_wait3A_233 = tpu.memref_slice %arg2[%dma_wait3A_231, %dma_wait3A_232] : memref<8192x8192xf32, #tpu.memory_space<hbm>> -> memref<2x8192xf32, #tpu.memory_space<hbm>>
      %dma_wait3A_234 = arith.constant 0 : i32
      %dma_wait3A_235 = arith.constant 0 : i32
      %dma_wait3A_236 = tpu.memref_slice %arg2[%dma_wait3A_234, %dma_wait3A_235] : memref<8192x8192xf32, #tpu.memory_space<hbm>> -> memref<2x8192xf32, #tpu.memory_space<hbm>>
      tpu.wait_dma2 semaphore(%arg13 : memref<!tpu.dma_semaphore, #tpu.memory_space<semaphore_mem>>) src(%dma_wait3A_236 : memref<2x8192xf32, #tpu.memory_space<hbm>>) dst(%arg9 : memref<2x8192xf32, #tpu.memory_space<vmem>>)
      %dma_wait3A_237 = arith.constant 0 : i32
      %dma_wait3A_238 = tpu.memref_slice %arg5[%mul3A_2, %dma_wait3A_237] : memref<8192x8192xf32, #tpu.memory_space<hbm>> -> memref<2x8192xf32, #tpu.memory_space<hbm>>
      %dma_wait3A_239 = arith.constant 0 : i32
      %dma_wait3A_240 = tpu.memref_slice %arg5[%mul3A_2, %dma_wait3A_239] : memref<8192x8192xf32, #tpu.memory_space<hbm>> -> memref<2x8192xf32, #tpu.memory_space<hbm>>
      tpu.wait_dma2 semaphore(%arg16 : memref<!tpu.dma_semaphore, #tpu.memory_space<semaphore_mem>>) src(%arg8 : memref<2x8192xf32, #tpu.memory_space<vmem>>) dst(%dma_wait3A_240 : memref<2x8192xf32, #tpu.memory_space<hbm>>)
      %add3A_241 = arith.constant 3 : i32
      %add3A_242 = arith.addi %add3A_230, %add3A_241 : i32
      %dma_start3A_243 = arith.constant 0 : i32
      %dma_start3A_244 = tpu.memref_slice %arg6[%add3A_242, %dma_start3A_243] : memref<128x2xi32, #tpu.memory_space<vmem>> -> memref<1x2xi32, #tpu.memory_space<vmem>>
      %dma_start3A_245 = tpu.memref_squeeze %dma_start3A_244 : memref<1x2xi32, #tpu.memory_space<vmem>> -> memref<2xi32, #tpu.memory_space<vmem>>
      %dma_start3A_246 = arith.constant 0 : i32
      %dma_start3A_247 = arith.constant 0 : i32
      %dma_start3A_248 = tpu.memref_slice %arg2[%dma_start3A_246, %dma_start3A_247] : memref<8192x8192xf32, #tpu.memory_space<hbm>> -> memref<8192x8192xf32, #tpu.memory_space<hbm>>
      tpu.enqueue_indirect_dma source(%dma_start3A_248 : memref<8192x8192xf32, #tpu.memory_space<hbm>>) target(%arg8 : memref<2x8192xf32, #tpu.memory_space<vmem>>) offsets(%dma_start3A_245 : memref<2xi32, #tpu.memory_space<vmem>>) semaphore(%arg12 : memref<!tpu.dma_semaphore, #tpu.memory_space<semaphore_mem>>)
      %dma_start3A_249 = arith.constant 0 : i32
      %dma_start3A_250 = tpu.memref_slice %arg7[%add3A_230, %dma_start3A_249] : memref<128x2xi32, #tpu.memory_space<vmem>> -> memref<1x2xi32, #tpu.memory_space<vmem>>
      %dma_start3A_251 = tpu.memref_squeeze %dma_start3A_250 : memref<1x2xi32, #tpu.memory_space<vmem>> -> memref<2xi32, #tpu.memory_space<vmem>>
      %dma_start3A_252 = arith.constant 0 : i32
      %dma_start3A_253 = arith.constant 0 : i32
      %dma_start3A_254 = tpu.memref_slice %arg5[%dma_start3A_252, %dma_start3A_253] : memref<8192x8192xf32, #tpu.memory_space<hbm>> -> memref<8192x8192xf32, #tpu.memory_space<hbm>>
      tpu.enqueue_indirect_dma source(%arg9 : memref<2x8192xf32, #tpu.memory_space<vmem>>) target(%dma_start3A_254 : memref<8192x8192xf32, #tpu.memory_space<hbm>>) offsets(%dma_start3A_251 : memref<2xi32, #tpu.memory_space<vmem>>) semaphore(%arg17 : memref<!tpu.dma_semaphore, #tpu.memory_space<semaphore_mem>>)
      %mul3A_255 = arith.constant 4 : i32
      %mul3A_256 = arith.muli %mul3A_255, %scan3A_198 : i32
      %add3A_257 = arith.constant 2 : i32
      %add3A_258 = arith.addi %mul3A_256, %add3A_257 : i32
      %dma_wait3A_259 = arith.constant 0 : i32
      %dma_wait3A_260 = arith.constant 0 : i32
      %dma_wait3A_261 = tpu.memref_slice %arg2[%dma_wait3A_259, %dma_wait3A_260] : memref<8192x8192xf32, #tpu.memory_space<hbm>> -> memref<2x8192xf32, #tpu.memory_space<hbm>>
      %dma_wait3A_262 = arith.constant 0 : i32
      %dma_wait3A_263 = arith.constant 0 : i32
      %dma_wait3A_264 = tpu.memref_slice %arg2[%dma_wait3A_262, %dma_wait3A_263] : memref<8192x8192xf32, #tpu.memory_space<hbm>> -> memref<2x8192xf32, #tpu.memory_space<hbm>>
      tpu.wait_dma2 semaphore(%arg14 : memref<!tpu.dma_semaphore, #tpu.memory_space<semaphore_mem>>) src(%dma_wait3A_264 : memref<2x8192xf32, #tpu.memory_space<hbm>>) dst(%arg10 : memref<2x8192xf32, #tpu.memory_space<vmem>>)
      %dma_wait3A_265 = arith.constant 0 : i32
      %dma_wait3A_266 = tpu.memref_slice %arg5[%mul3A_2, %dma_wait3A_265] : memref<8192x8192xf32, #tpu.memory_space<hbm>> -> memref<2x8192xf32, #tpu.memory_space<hbm>>
      %dma_wait3A_267 = arith.constant 0 : i32
      %dma_wait3A_268 = tpu.memref_slice %arg5[%mul3A_2, %dma_wait3A_267] : memref<8192x8192xf32, #tpu.memory_space<hbm>> -> memref<2x8192xf32, #tpu.memory_space<hbm>>
      tpu.wait_dma2 semaphore(%arg17 : memref<!tpu.dma_semaphore, #tpu.memory_space<semaphore_mem>>) src(%arg9 : memref<2x8192xf32, #tpu.memory_space<vmem>>) dst(%dma_wait3A_268 : memref<2x8192xf32, #tpu.memory_space<hbm>>)
      %add3A_269 = arith.constant 3 : i32
      %add3A_270 = arith.addi %add3A_258, %add3A_269 : i32
      %dma_start3A_271 = arith.constant 0 : i32
      %dma_start3A_272 = tpu.memref_slice %arg6[%add3A_270, %dma_start3A_271] : memref<128x2xi32, #tpu.memory_space<vmem>> -> memref<1x2xi32, #tpu.memory_space<vmem>>
      %dma_start3A_273 = tpu.memref_squeeze %dma_start3A_272 : memref<1x2xi32, #tpu.memory_space<vmem>> -> memref<2xi32, #tpu.memory_space<vmem>>
      %dma_start3A_274 = arith.constant 0 : i32
      %dma_start3A_275 = arith.constant 0 : i32
      %dma_start3A_276 = tpu.memref_slice %arg2[%dma_start3A_274, %dma_start3A_275] : memref<8192x8192xf32, #tpu.memory_space<hbm>> -> memref<8192x8192xf32, #tpu.memory_space<hbm>>
      tpu.enqueue_indirect_dma source(%dma_start3A_276 : memref<8192x8192xf32, #tpu.memory_space<hbm>>) target(%arg9 : memref<2x8192xf32, #tpu.memory_space<vmem>>) offsets(%dma_start3A_273 : memref<2xi32, #tpu.memory_space<vmem>>) semaphore(%arg13 : memref<!tpu.dma_semaphore, #tpu.memory_space<semaphore_mem>>)
      %dma_start3A_277 = arith.constant 0 : i32
      %dma_start3A_278 = tpu.memref_slice %arg7[%add3A_258, %dma_start3A_277] : memref<128x2xi32, #tpu.memory_space<vmem>> -> memref<1x2xi32, #tpu.memory_space<vmem>>
      %dma_start3A_279 = tpu.memref_squeeze %dma_start3A_278 : memref<1x2xi32, #tpu.memory_space<vmem>> -> memref<2xi32, #tpu.memory_space<vmem>>
      %dma_start3A_280 = arith.constant 0 : i32
      %dma_start3A_281 = arith.constant 0 : i32
      %dma_start3A_282 = tpu.memref_slice %arg5[%dma_start3A_280, %dma_start3A_281] : memref<8192x8192xf32, #tpu.memory_space<hbm>> -> memref<8192x8192xf32, #tpu.memory_space<hbm>>
      tpu.enqueue_indirect_dma source(%arg10 : memref<2x8192xf32, #tpu.memory_space<vmem>>) target(%dma_start3A_282 : memref<8192x8192xf32, #tpu.memory_space<hbm>>) offsets(%dma_start3A_279 : memref<2xi32, #tpu.memory_space<vmem>>) semaphore(%arg18 : memref<!tpu.dma_semaphore, #tpu.memory_space<semaphore_mem>>)
      %mul3A_283 = arith.constant 4 : i32
      %mul3A_284 = arith.muli %mul3A_283, %scan3A_198 : i32
      %add3A_285 = arith.constant 3 : i32
      %add3A_286 = arith.addi %mul3A_284, %add3A_285 : i32
      %dma_wait3A_287 = arith.constant 0 : i32
      %dma_wait3A_288 = arith.constant 0 : i32
      %dma_wait3A_289 = tpu.memref_slice %arg2[%dma_wait3A_287, %dma_wait3A_288] : memref<8192x8192xf32, #tpu.memory_space<hbm>> -> memref<2x8192xf32, #tpu.memory_space<hbm>>
      %dma_wait3A_290 = arith.constant 0 : i32
      %dma_wait3A_291 = arith.constant 0 : i32
      %dma_wait3A_292 = tpu.memref_slice %arg2[%dma_wait3A_290, %dma_wait3A_291] : memref<8192x8192xf32, #tpu.memory_space<hbm>> -> memref<2x8192xf32, #tpu.memory_space<hbm>>
      tpu.wait_dma2 semaphore(%arg15 : memref<!tpu.dma_semaphore, #tpu.memory_space<semaphore_mem>>) src(%dma_wait3A_292 : memref<2x8192xf32, #tpu.memory_space<hbm>>) dst(%arg11 : memref<2x8192xf32, #tpu.memory_space<vmem>>)
      %dma_wait3A_293 = arith.constant 0 : i32
      %dma_wait3A_294 = tpu.memref_slice %arg5[%mul3A_2, %dma_wait3A_293] : memref<8192x8192xf32, #tpu.memory_space<hbm>> -> memref<2x8192xf32, #tpu.memory_space<hbm>>
      %dma_wait3A_295 = arith.constant 0 : i32
      %dma_wait3A_296 = tpu.memref_slice %arg5[%mul3A_2, %dma_wait3A_295] : memref<8192x8192xf32, #tpu.memory_space<hbm>> -> memref<2x8192xf32, #tpu.memory_space<hbm>>
      tpu.wait_dma2 semaphore(%arg18 : memref<!tpu.dma_semaphore, #tpu.memory_space<semaphore_mem>>) src(%arg10 : memref<2x8192xf32, #tpu.memory_space<vmem>>) dst(%dma_wait3A_296 : memref<2x8192xf32, #tpu.memory_space<hbm>>)
      %add3A_297 = arith.constant 3 : i32
      %add3A_298 = arith.addi %add3A_286, %add3A_297 : i32
      %dma_start3A_299 = arith.constant 0 : i32
      %dma_start3A_300 = tpu.memref_slice %arg6[%add3A_298, %dma_start3A_299] : memref<128x2xi32, #tpu.memory_space<vmem>> -> memref<1x2xi32, #tpu.memory_space<vmem>>
      %dma_start3A_301 = tpu.memref_squeeze %dma_start3A_300 : memref<1x2xi32, #tpu.memory_space<vmem>> -> memref<2xi32, #tpu.memory_space<vmem>>
      %dma_start3A_302 = arith.constant 0 : i32
      %dma_start3A_303 = arith.constant 0 : i32
      %dma_start3A_304 = tpu.memref_slice %arg2[%dma_start3A_302, %dma_start3A_303] : memref<8192x8192xf32, #tpu.memory_space<hbm>> -> memref<8192x8192xf32, #tpu.memory_space<hbm>>
      tpu.enqueue_indirect_dma source(%dma_start3A_304 : memref<8192x8192xf32, #tpu.memory_space<hbm>>) target(%arg10 : memref<2x8192xf32, #tpu.memory_space<vmem>>) offsets(%dma_start3A_301 : memref<2xi32, #tpu.memory_space<vmem>>) semaphore(%arg14 : memref<!tpu.dma_semaphore, #tpu.memory_space<semaphore_mem>>)
      %dma_start3A_305 = arith.constant 0 : i32
      %dma_start3A_306 = tpu.memref_slice %arg7[%add3A_286, %dma_start3A_305] : memref<128x2xi32, #tpu.memory_space<vmem>> -> memref<1x2xi32, #tpu.memory_space<vmem>>
      %dma_start3A_307 = tpu.memref_squeeze %dma_start3A_306 : memref<1x2xi32, #tpu.memory_space<vmem>> -> memref<2xi32, #tpu.memory_space<vmem>>
      %dma_start3A_308 = arith.constant 0 : i32
      %dma_start3A_309 = arith.constant 0 : i32
      %dma_start3A_310 = tpu.memref_slice %arg5[%dma_start3A_308, %dma_start3A_309] : memref<8192x8192xf32, #tpu.memory_space<hbm>> -> memref<8192x8192xf32, #tpu.memory_space<hbm>>
      tpu.enqueue_indirect_dma source(%arg11 : memref<2x8192xf32, #tpu.memory_space<vmem>>) target(%dma_start3A_310 : memref<8192x8192xf32, #tpu.memory_space<hbm>>) offsets(%dma_start3A_307 : memref<2xi32, #tpu.memory_space<vmem>>) semaphore(%arg19 : memref<!tpu.dma_semaphore, #tpu.memory_space<semaphore_mem>>)
    }
    %scan3A_118 = arith.constant 30 : i32
    %dma_wait3A_119 = arith.constant 0 : i32
    %dma_wait3A_120 = arith.constant 0 : i32
    %dma_wait3A_121 = tpu.memref_slice %arg2[%dma_wait3A_119, %dma_wait3A_120] : memref<8192x8192xf32, #tpu.memory_space<hbm>> -> memref<2x8192xf32, #tpu.memory_space<hbm>>
    %dma_wait3A_122 = arith.constant 0 : i32
    %dma_wait3A_123 = arith.constant 0 : i32
    %dma_wait3A_124 = tpu.memref_slice %arg2[%dma_wait3A_122, %dma_wait3A_123] : memref<8192x8192xf32, #tpu.memory_space<hbm>> -> memref<2x8192xf32, #tpu.memory_space<hbm>>
    tpu.wait_dma2 semaphore(%arg12 : memref<!tpu.dma_semaphore, #tpu.memory_space<semaphore_mem>>) src(%dma_wait3A_124 : memref<2x8192xf32, #tpu.memory_space<hbm>>) dst(%arg8 : memref<2x8192xf32, #tpu.memory_space<vmem>>)
    %dma_start3A_125 = arith.constant 124 : i32
    %dma_start3A_126 = arith.constant 0 : i32
    %dma_start3A_127 = tpu.memref_slice %arg7[%dma_start3A_125, %dma_start3A_126] : memref<128x2xi32, #tpu.memory_space<vmem>> -> memref<1x2xi32, #tpu.memory_space<vmem>>
    %dma_start3A_128 = tpu.memref_squeeze %dma_start3A_127 : memref<1x2xi32, #tpu.memory_space<vmem>> -> memref<2xi32, #tpu.memory_space<vmem>>
    %dma_start3A_129 = arith.constant 0 : i32
    %dma_start3A_130 = arith.constant 0 : i32
    %dma_start3A_131 = tpu.memref_slice %arg5[%dma_start3A_129, %dma_start3A_130] : memref<8192x8192xf32, #tpu.memory_space<hbm>> -> memref<8192x8192xf32, #tpu.memory_space<hbm>>
    tpu.enqueue_indirect_dma source(%arg8 : memref<2x8192xf32, #tpu.memory_space<vmem>>) target(%dma_start3A_131 : memref<8192x8192xf32, #tpu.memory_space<hbm>>) offsets(%dma_start3A_128 : memref<2xi32, #tpu.memory_space<vmem>>) semaphore(%arg16 : memref<!tpu.dma_semaphore, #tpu.memory_space<semaphore_mem>>)
    %dma_wait3A_132 = arith.constant 0 : i32
    %dma_wait3A_133 = tpu.memref_slice %arg5[%mul3A_2, %dma_wait3A_132] : memref<8192x8192xf32, #tpu.memory_space<hbm>> -> memref<2x8192xf32, #tpu.memory_space<hbm>>
    %dma_wait3A_134 = arith.constant 0 : i32
    %dma_wait3A_135 = tpu.memref_slice %arg5[%mul3A_2, %dma_wait3A_134] : memref<8192x8192xf32, #tpu.memory_space<hbm>> -> memref<2x8192xf32, #tpu.memory_space<hbm>>
    tpu.wait_dma2 semaphore(%arg19 : memref<!tpu.dma_semaphore, #tpu.memory_space<semaphore_mem>>) src(%arg11 : memref<2x8192xf32, #tpu.memory_space<vmem>>) dst(%dma_wait3A_135 : memref<2x8192xf32, #tpu.memory_space<hbm>>)
    %dma_start3A_136 = arith.constant 127 : i32
    %dma_start3A_137 = arith.constant 0 : i32
    %dma_start3A_138 = tpu.memref_slice %arg6[%dma_start3A_136, %dma_start3A_137] : memref<128x2xi32, #tpu.memory_space<vmem>> -> memref<1x2xi32, #tpu.memory_space<vmem>>
    %dma_start3A_139 = tpu.memref_squeeze %dma_start3A_138 : memref<1x2xi32, #tpu.memory_space<vmem>> -> memref<2xi32, #tpu.memory_space<vmem>>
    %dma_start3A_140 = arith.constant 0 : i32
    %dma_start3A_141 = arith.constant 0 : i32
    %dma_start3A_142 = tpu.memref_slice %arg2[%dma_start3A_140, %dma_start3A_141] : memref<8192x8192xf32, #tpu.memory_space<hbm>> -> memref<8192x8192xf32, #tpu.memory_space<hbm>>
    tpu.enqueue_indirect_dma source(%dma_start3A_142 : memref<8192x8192xf32, #tpu.memory_space<hbm>>) target(%arg11 : memref<2x8192xf32, #tpu.memory_space<vmem>>) offsets(%dma_start3A_139 : memref<2xi32, #tpu.memory_space<vmem>>) semaphore(%arg15 : memref<!tpu.dma_semaphore, #tpu.memory_space<semaphore_mem>>)
    %dma_wait3A_143 = arith.constant 0 : i32
    %dma_wait3A_144 = arith.constant 0 : i32
    %dma_wait3A_145 = tpu.memref_slice %arg2[%dma_wait3A_143, %dma_wait3A_144] : memref<8192x8192xf32, #tpu.memory_space<hbm>> -> memref<2x8192xf32, #tpu.memory_space<hbm>>
    %dma_wait3A_146 = arith.constant 0 : i32
    %dma_wait3A_147 = arith.constant 0 : i32
    %dma_wait3A_148 = tpu.memref_slice %arg2[%dma_wait3A_146, %dma_wait3A_147] : memref<8192x8192xf32, #tpu.memory_space<hbm>> -> memref<2x8192xf32, #tpu.memory_space<hbm>>
    tpu.wait_dma2 semaphore(%arg13 : memref<!tpu.dma_semaphore, #tpu.memory_space<semaphore_mem>>) src(%dma_wait3A_148 : memref<2x8192xf32, #tpu.memory_space<hbm>>) dst(%arg9 : memref<2x8192xf32, #tpu.memory_space<vmem>>)
    %dma_start3A_149 = arith.constant 125 : i32
    %dma_start3A_150 = arith.constant 0 : i32
    %dma_start3A_151 = tpu.memref_slice %arg7[%dma_start3A_149, %dma_start3A_150] : memref<128x2xi32, #tpu.memory_space<vmem>> -> memref<1x2xi32, #tpu.memory_space<vmem>>
    %dma_start3A_152 = tpu.memref_squeeze %dma_start3A_151 : memref<1x2xi32, #tpu.memory_space<vmem>> -> memref<2xi32, #tpu.memory_space<vmem>>
    %dma_start3A_153 = arith.constant 0 : i32
    %dma_start3A_154 = arith.constant 0 : i32
    %dma_start3A_155 = tpu.memref_slice %arg5[%dma_start3A_153, %dma_start3A_154] : memref<8192x8192xf32, #tpu.memory_space<hbm>> -> memref<8192x8192xf32, #tpu.memory_space<hbm>>
    tpu.enqueue_indirect_dma source(%arg9 : memref<2x8192xf32, #tpu.memory_space<vmem>>) target(%dma_start3A_155 : memref<8192x8192xf32, #tpu.memory_space<hbm>>) offsets(%dma_start3A_152 : memref<2xi32, #tpu.memory_space<vmem>>) semaphore(%arg17 : memref<!tpu.dma_semaphore, #tpu.memory_space<semaphore_mem>>)
    %dma_wait3A_156 = arith.constant 0 : i32
    %dma_wait3A_157 = tpu.memref_slice %arg5[%mul3A_2, %dma_wait3A_156] : memref<8192x8192xf32, #tpu.memory_space<hbm>> -> memref<2x8192xf32, #tpu.memory_space<hbm>>
    %dma_wait3A_158 = arith.constant 0 : i32
    %dma_wait3A_159 = tpu.memref_slice %arg5[%mul3A_2, %dma_wait3A_158] : memref<8192x8192xf32, #tpu.memory_space<hbm>> -> memref<2x8192xf32, #tpu.memory_space<hbm>>
    tpu.wait_dma2 semaphore(%arg16 : memref<!tpu.dma_semaphore, #tpu.memory_space<semaphore_mem>>) src(%arg8 : memref<2x8192xf32, #tpu.memory_space<vmem>>) dst(%dma_wait3A_159 : memref<2x8192xf32, #tpu.memory_space<hbm>>)
    %dma_wait3A_160 = arith.constant 0 : i32
    %dma_wait3A_161 = arith.constant 0 : i32
    %dma_wait3A_162 = tpu.memref_slice %arg2[%dma_wait3A_160, %dma_wait3A_161] : memref<8192x8192xf32, #tpu.memory_space<hbm>> -> memref<2x8192xf32, #tpu.memory_space<hbm>>
    %dma_wait3A_163 = arith.constant 0 : i32
    %dma_wait3A_164 = arith.constant 0 : i32
    %dma_wait3A_165 = tpu.memref_slice %arg2[%dma_wait3A_163, %dma_wait3A_164] : memref<8192x8192xf32, #tpu.memory_space<hbm>> -> memref<2x8192xf32, #tpu.memory_space<hbm>>
    tpu.wait_dma2 semaphore(%arg14 : memref<!tpu.dma_semaphore, #tpu.memory_space<semaphore_mem>>) src(%dma_wait3A_165 : memref<2x8192xf32, #tpu.memory_space<hbm>>) dst(%arg10 : memref<2x8192xf32, #tpu.memory_space<vmem>>)
    %dma_start3A_166 = arith.constant 126 : i32
    %dma_start3A_167 = arith.constant 0 : i32
    %dma_start3A_168 = tpu.memref_slice %arg7[%dma_start3A_166, %dma_start3A_167] : memref<128x2xi32, #tpu.memory_space<vmem>> -> memref<1x2xi32, #tpu.memory_space<vmem>>
    %dma_start3A_169 = tpu.memref_squeeze %dma_start3A_168 : memref<1x2xi32, #tpu.memory_space<vmem>> -> memref<2xi32, #tpu.memory_space<vmem>>
    %dma_start3A_170 = arith.constant 0 : i32
    %dma_start3A_171 = arith.constant 0 : i32
    %dma_start3A_172 = tpu.memref_slice %arg5[%dma_start3A_170, %dma_start3A_171] : memref<8192x8192xf32, #tpu.memory_space<hbm>> -> memref<8192x8192xf32, #tpu.memory_space<hbm>>
    tpu.enqueue_indirect_dma source(%arg10 : memref<2x8192xf32, #tpu.memory_space<vmem>>) target(%dma_start3A_172 : memref<8192x8192xf32, #tpu.memory_space<hbm>>) offsets(%dma_start3A_169 : memref<2xi32, #tpu.memory_space<vmem>>) semaphore(%arg18 : memref<!tpu.dma_semaphore, #tpu.memory_space<semaphore_mem>>)
    %dma_wait3A_173 = arith.constant 0 : i32
    %dma_wait3A_174 = tpu.memref_slice %arg5[%mul3A_2, %dma_wait3A_173] : memref<8192x8192xf32, #tpu.memory_space<hbm>> -> memref<2x8192xf32, #tpu.memory_space<hbm>>
    %dma_wait3A_175 = arith.constant 0 : i32
    %dma_wait3A_176 = tpu.memref_slice %arg5[%mul3A_2, %dma_wait3A_175] : memref<8192x8192xf32, #tpu.memory_space<hbm>> -> memref<2x8192xf32, #tpu.memory_space<hbm>>
    tpu.wait_dma2 semaphore(%arg17 : memref<!tpu.dma_semaphore, #tpu.memory_space<semaphore_mem>>) src(%arg9 : memref<2x8192xf32, #tpu.memory_space<vmem>>) dst(%dma_wait3A_176 : memref<2x8192xf32, #tpu.memory_space<hbm>>)
    %dma_wait3A_177 = arith.constant 0 : i32
    %dma_wait3A_178 = arith.constant 0 : i32
    %dma_wait3A_179 = tpu.memref_slice %arg2[%dma_wait3A_177, %dma_wait3A_178] : memref<8192x8192xf32, #tpu.memory_space<hbm>> -> memref<2x8192xf32, #tpu.memory_space<hbm>>
    %dma_wait3A_180 = arith.constant 0 : i32
    %dma_wait3A_181 = arith.constant 0 : i32
    %dma_wait3A_182 = tpu.memref_slice %arg2[%dma_wait3A_180, %dma_wait3A_181] : memref<8192x8192xf32, #tpu.memory_space<hbm>> -> memref<2x8192xf32, #tpu.memory_space<hbm>>
    tpu.wait_dma2 semaphore(%arg15 : memref<!tpu.dma_semaphore, #tpu.memory_space<semaphore_mem>>) src(%dma_wait3A_182 : memref<2x8192xf32, #tpu.memory_space<hbm>>) dst(%arg11 : memref<2x8192xf32, #tpu.memory_space<vmem>>)
    %dma_start3A_183 = arith.constant 127 : i32
    %dma_start3A_184 = arith.constant 0 : i32
    %dma_start3A_185 = tpu.memref_slice %arg7[%dma_start3A_183, %dma_start3A_184] : memref<128x2xi32, #tpu.memory_space<vmem>> -> memref<1x2xi32, #tpu.memory_space<vmem>>
    %dma_start3A_186 = tpu.memref_squeeze %dma_start3A_185 : memref<1x2xi32, #tpu.memory_space<vmem>> -> memref<2xi32, #tpu.memory_space<vmem>>
    %dma_start3A_187 = arith.constant 0 : i32
    %dma_start3A_188 = arith.constant 0 : i32
    %dma_start3A_189 = tpu.memref_slice %arg5[%dma_start3A_187, %dma_start3A_188] : memref<8192x8192xf32, #tpu.memory_space<hbm>> -> memref<8192x8192xf32, #tpu.memory_space<hbm>>
    tpu.enqueue_indirect_dma source(%arg11 : memref<2x8192xf32, #tpu.memory_space<vmem>>) target(%dma_start3A_189 : memref<8192x8192xf32, #tpu.memory_space<hbm>>) offsets(%dma_start3A_186 : memref<2xi32, #tpu.memory_space<vmem>>) semaphore(%arg19 : memref<!tpu.dma_semaphore, #tpu.memory_space<semaphore_mem>>)
    %dma_wait3A_190 = arith.constant 0 : i32
    %dma_wait3A_191 = tpu.memref_slice %arg5[%mul3A_2, %dma_wait3A_190] : memref<8192x8192xf32, #tpu.memory_space<hbm>> -> memref<2x8192xf32, #tpu.memory_space<hbm>>
    %dma_wait3A_192 = arith.constant 0 : i32
    %dma_wait3A_193 = tpu.memref_slice %arg5[%mul3A_2, %dma_wait3A_192] : memref<8192x8192xf32, #tpu.memory_space<hbm>> -> memref<2x8192xf32, #tpu.memory_space<hbm>>
    tpu.wait_dma2 semaphore(%arg18 : memref<!tpu.dma_semaphore, #tpu.memory_space<semaphore_mem>>) src(%arg10 : memref<2x8192xf32, #tpu.memory_space<vmem>>) dst(%dma_wait3A_193 : memref<2x8192xf32, #tpu.memory_space<hbm>>)
    %dma_wait3A_194 = arith.constant 0 : i32
    %dma_wait3A_195 = tpu.memref_slice %arg5[%mul3A_2, %dma_wait3A_194] : memref<8192x8192xf32, #tpu.memory_space<hbm>> -> memref<2x8192xf32, #tpu.memory_space<hbm>>
    %dma_wait3A_196 = arith.constant 0 : i32
    %dma_wait3A_197 = tpu.memref_slice %arg5[%mul3A_2, %dma_wait3A_196] : memref<8192x8192xf32, #tpu.memory_space<hbm>> -> memref<2x8192xf32, #tpu.memory_space<hbm>>
    tpu.wait_dma2 semaphore(%arg19 : memref<!tpu.dma_semaphore, #tpu.memory_space<semaphore_mem>>) src(%arg11 : memref<2x8192xf32, #tpu.memory_space<vmem>>) dst(%dma_wait3A_197 : memref<2x8192xf32, #tpu.memory_space<hbm>>)
    return
  }
}

</mosaic_0001>

<sc_bundles>
// kernel: _lookup.3.cloned.1.call-start
scs
__scs_entry_jumppad:
0x0: {  	(pc) =	sbr.rel $0x88, $3  }
0x1: {  	(tag) =	ssettag $0x0;
	lr =	simm.s32 $0x1  }
0x2: {  	[smem:$0x3F9E] =	sst lr;
	_ =	strace $0xD0000000  }
0x3: {  	_ = 	snop  }
0x4: {  	_ = 	snop  }
0x5: {  	_ = 	snop  }
0x6: {  	_ = 	snop  }
0x7: {  	_ = 	snop  }
__scs_overlays_trampoline_lowered:
0x8: {  	[smem:$0x3FAD] =	sst s0  }
0x9: {  	[smem:$0x3FAE] =	sst s1  }
0xa: {  	[smem:$0x3FAF] =	sst s2  }
0xb: {  	[smem:$0x3FB0] =	sst s3  }
0xc: {  	[smem:$0x3FB1] =	sst s4  }
0xd: {  	[smem:$0x3FB2] =	sst s5  }
0xe: {  	[smem:$0x3FB3] =	sst s6  }
0xf: {  	[smem:$0x3FB4] =	sst s7  }
0x10: {  	[smem:$0x3FB5] =	sst s8  }
0x11: {  	[smem:$0x3FB6] =	sst s9;
	s0 =	simm.s32 @!p0 $0x0  }
0x12: {  	s1 =	sld [smem:$0x3F9C];
	s0 =	simm.s32 @p0 $0x1  }
0x13: {  	[smem:$0x3FB7] =	sst s0;
	s0 =	simm.s32 @!p1 $0x0  }
0x14: {  	s2 =	sld [smem:$0x3F9B];
	s0 =	simm.s32 @p1 $0x1  }
0x15: {  	[smem:$0x3FB8] =	sst s0;
	s0 =	simm.s32 @!p2 $0x0  }
0x16: {  	s3 =	sld [smem:$0x3FDB];
	s0 =	simm.s32 @p2 $0x1  }
0x17: {  	s4 =	simm.s32 $0x1BF5;
	[smem:$0x3FBA] =	sst s0  }
0x18: {  	s0 =	sld [smem:$0x3F9D];
	_ =	swait.ge [sflag:s4], $0x0  }
0x19: {  	s7 =	sld [smem:$0x3F9E]  }
0x1a: {  	s8 =	sadd.s32 $0xFFFFE003, lr  }
0x1b: {  	s9 =	sadd.s32 $0xFFFFFEF7, lr;
	s5 =	simm.s32 $0xFFFFFFFF;
	p2 =	slt.u32 s8, $0xFFFFF086  }
0x1c: {  	p1 =	slt.u32 s9, $0xF7A;
	s5 =	simm.s32 @!p2 $0x0  }
0x1d: {  	s5 =	simm.s32 @p1 $0x1;
	p0 =	seq.s32 s7, s2  }
0x1e: {  	s7 =	smul.u32 @!p0 $0xF7A, s2;
	p2 =	seq.s32 @!p0 s5, $0x0  }
0x1f: {  	s9 =	smul.u32 $0xF7A, s1;
	s8 =	simm.s32 @!p0 $0x1BF5;
	p2 =	por !p2, p0  }
0x20: {  	[sflag:s8] =	ssyncset.s32 @!p0 $0xFFFFF086;
	s6 =	sadd.s32 @!p0 s3, s7;
	s7 =	simm.s32 @!p0 $0x108  }
0x21: {  	s3 =	sadd.s32 s3, s9;
	s6 =	sadd.s32 @!p0 $0x88, s6;
	s7 =	simm.s32 @p2 $0x1082  }
0x22: {  	[simem:s7], [sflag:s8] =	dma.local @!p0 [hbm:s6], $0xF7A  }
0x23: {  	s9 =	sor.u32 $0xD0000000, s2;
	s6 =	simm.s32 $0x108;
	_ =	swait.ge @!p0 [sflag:s8], $0x0  }
0x24: {  	s3 =	sadd.s32 $0x88, s3;
	s6 =	simm.s32 @!p1 $0x1082;
	[sflag:s4] =	ssyncset.s32 $0xFFFFF086  }
0x25: {  	[simem:s6], [sflag:s4] =	dma.local [hbm:s3], $0xF7A  }
0x26: {  	[smem:$0x3F9E] =	sst s1;
	(tag) =	ssettag s2;
	_ =	strace s9  }
0x27: {  	s1 =	sld [smem:$0x3FAE]  }
0x28: {  	s2 =	sld [smem:$0x3FAF]  }
0x29: {  	s4 =	sld [smem:$0x3FB1]  }
0x2a: {  	p0 =	seq.s32 s5, $0x0;
	s5 =	sld [smem:$0x3FB2]  }
0x2b: {  	s6 =	sld [smem:$0x3FB3]  }
0x2c: {  	s7 =	sld [smem:$0x3FB4]  }
0x2d: {  	s3 =	simm.s32 $0x108;
	s8 =	sld [smem:$0x3FB5]  }
0x2e: {  	s3 =	simm.s32 @!p0 $0x1082;
	s9 =	sld [smem:$0x3FB6]  }
0x2f: {  	lr =	sadd.s32 s0, s3;
	s0 =	sld [smem:$0x3FAD]  }
0x30: {  	s3 =	sld [smem:$0x3FB0]  }
0x31: {  	[smem:$0x3FB9] =	sst s10  }
0x32: {  	s10 =	sld [smem:$0x3FB7];
	_ =	sdelay $0x3  }
0x33: {  	p0 =	seq.s32 s10, $0x1;
	s10 =	sld [smem:$0x3FB9];
	_ =	sdelay $0x3  }
0x34: {  	[smem:$0x3FB9] =	sst s10  }
0x35: {  	s10 =	sld [smem:$0x3FB8];
	_ =	sdelay $0x3  }
0x36: {  	p1 =	seq.s32 s10, $0x1;
	s10 =	sld [smem:$0x3FB9];
	_ =	sdelay $0x3  }
0x37: {  	[smem:$0x3FB9] =	sst s10  }
0x38: {  	s10 =	sld [smem:$0x3FBA]  }
0x39: {  	_ = 	snop;
	(pc) =	sbr.ind lr, $3  }
0x3a: {  	_ = 	snop  }
0x3b: {  	_ = 	snop  }
0x3c: {  	p2 =	seq.s32 s10, $0x1;
	s10 =	sld [smem:$0x3FB9]  }
0x3d: {  	_ =	shalt  }
0x3e: {  	_ =	shalt  }
0x3f: {  	_ =	shalt  }
0x40: {  	_ =	shalt  }
0x41: {  	_ =	shalt  }
0x42: {  	_ =	shalt  }
0x43: {  	_ =	shalt  }
0x44: {  	_ =	shalt  }
0x45: {  	_ =	shalt  }
0x46: {  	_ =	shalt  }
0x47: {  	_ =	shalt  }
0x48: {  	_ =	shalt  }
0x49: {  	_ =	shalt  }
0x4a: {  	_ =	shalt  }
0x4b: {  	_ =	shalt  }
0x4c: {  	_ =	shalt  }
0x4d: {  	_ =	shalt  }
0x4e: {  	_ =	shalt  }
0x4f: {  	_ =	shalt  }
0x50: {  	_ =	shalt  }
0x51: {  	_ =	shalt  }
0x52: {  	_ =	shalt  }
0x53: {  	_ =	shalt  }
0x54: {  	_ =	shalt  }
0x55: {  	_ =	shalt  }
0x56: {  	_ =	shalt  }
0x57: {  	_ =	shalt  }
0x58: {  	_ =	shalt  }
0x59: {  	_ =	shalt  }
0x5a: {  	_ =	shalt  }
0x5b: {  	_ =	shalt  }
0x5c: {  	_ =	shalt  }
0x5d: {  	_ =	shalt  }
0x5e: {  	_ =	shalt  }
0x5f: {  	_ =	shalt  }
0x60: {  	_ =	shalt  }
0x61: {  	_ =	shalt  }
0x62: {  	_ =	shalt  }
0x63: {  	_ =	shalt  }
0x64: {  	_ =	shalt  }
0x65: {  	_ =	shalt  }
0x66: {  	_ =	shalt  }
0x67: {  	_ =	shalt  }
0x68: {  	_ =	shalt  }
0x69: {  	_ =	shalt  }
0x6a: {  	_ =	shalt  }
0x6b: {  	_ =	shalt  }
0x6c: {  	_ =	shalt  }
0x6d: {  	_ =	shalt  }
0x6e: {  	_ =	shalt  }
0x6f: {  	_ =	shalt  }
0x70: {  	_ =	shalt  }
0x71: {  	_ =	shalt  }
0x72: {  	_ =	shalt  }
0x73: {  	_ =	shalt  }
0x74: {  	_ =	shalt  }
0x75: {  	_ =	shalt  }
0x76: {  	_ =	shalt  }
0x77: {  	_ =	shalt  }
0x78: {  	_ =	shalt  }
0x79: {  	_ =	shalt  }
0x7a: {  	_ =	shalt  }
0x7b: {  	_ =	shalt  }
0x7c: {  	_ =	shalt  }
0x7d: {  	_ =	shalt  }
0x7e: {  	_ =	shalt  }
0x7f: {  	_ =	shalt  }
0x80: {  	_ =	shalt  }
0x81: {  	_ =	shalt  }
0x82: {  	_ =	shalt  }
0x83: {  	_ =	shalt  }
0x84: {  	_ =	shalt  }
0x85: {  	_ =	shalt  }
0x86: {  	_ =	shalt  }
0x87: {  	_ =	shalt  }
.Lfunc_end0:
.L_simem_size_0:
called_computation_lowered:
.L_overlay_start_0:
0x88: {  	s2 =	sld [smem:$0x3FD9]  }
0x89: {  	s3 =	sld [smem:$0x3FFE];
	_ =	sdelay $0x1  }
0x8a: {  	s1 =	srdreg.scid  }
0x8b: {  	s0 =	sand.u32 $0x1, s1  }
0x8c: {  	s17 =	sshll.u32 s0, $0xA;
	s2 =	sadd.s32 s3, s2  }
0x8d: {  	s2 =	sadd.s32 s2, s17  }
0x8e: {  	[smem:$0x3FC5] =	sst s2  }
0x8f: {  	_ = 	snop  }
0x90: {  	s2 =	sld [smem:$0x3FC9]  }
0x91: {  	s18 =	sld [smem:$0x3FD0];
	(tm) =	ssettm $0x1  }
0x92: {  	s4 =	sld [smem:$0x3FFB];
	_ =	sdelay $0x3  }
0x93: {  	_ =	strace s4  }
0x94: {  	s4 =	sld [smem:$0x3FFC];
	_ =	sdelay $0x3  }
0x95: {  	_ =	strace s4  }
0x96: {  	s4 =	sld [smem:$0x3FFD];
	_ =	sdelay $0x3  }
0x97: {  	_ =	strace s4  }
0x98: {  	_ =	strace $0x8FFFFFFF  }
0x99: {  	s19 =	sld [smem:$0x3FDB];
	_ =	sdelay $0x1  }
0x9a: {  	s5 =	simm.s32 $_scs_section_size  }
0x9b: {  	s6 =	simm.s32 $_size__tile_overlayer_lowered;
	s7 =	simm.s32 $_tile_overlayer_lowered  }
0x9c: {  	s22 =	simm.s32 $0x1BFF;
	s21 =	sshll.u32 s7, $0x1;
	s4 =	sadd.s32 s5, s19  }
0x9d: {  	s8 =	simm.s32 $0x0;
	s20 =	sshll.u32 s6, $0x1;
	s6 =	sadd.s32 s21, s4  }
0x9e: {  	[timem:s8], [sflag:s22] =	dma.local [hbm:s6], s20  }
0x9f: {  	_ =	swait.ge [sflag:s22], s20  }
0xa0: {  	s5 =	ssub.s32 $0x0, s20;
	[sflag:s22] =	ssyncset.done $0x0  }
0xa1: {  	[sflag:s22] =	ssyncadd.s32 s5;
	_ =	sdelay $0x1  }
0xa2: {  	s23 =	simm.s32 $0x1B8B  }
0xa3: {  	_ =	swait.ge [sflag:s23], $0x1  }
0xa4: {  	[sflag:s23] =	ssyncset.done $0x0  }
0xa5: {  	s25 =	simm.s32 $0x1B8E;
	s24 =	sld [smem:$0x3FFE];
	[sflag:s23] =	ssyncadd.s32 $0xFFFFFFFF  }
0xa6: {  	s26 =	simm.s32 $execute0_lowered;
	[smem:$0x3FD2] =	sst s25  }
0xa7: {  	s6 =	sshll.u32 s26, $0x1;
	_ =	strace $0x80000046;
	[dreg:$0x1] =	wrdreg $0xFFFFFFFF  }
0xa8: {  	s28 =	simm.s32 $_size_execute0_lowered;
	s4 =	sadd.s32 s4, s6;
	[dreg:$0x0] =	wrdreg $0x0  }
0xa9: {  	s6 =	sshll.u32 s28, $0x1;
	[dreg:$0x2] =	wrdreg s4  }
0xaa: {  	[dreg:$0x3] =	wrdreg s6  }
0xab: {  	[dreg:$0x4] =	wrdreg $0xC0  }
0xac: {  	_ =	task [dreg:s8], $0x5FFFF  }
0xad: {  	[dreg:$0x1] =	wrdreg $0xFFFFFFFF  }
0xae: {  	[dreg:$0x0] =	wrdreg $0x60  }
0xaf: {  	[dreg:$0x2] =	wrdreg s2  }
0xb0: {  	[dreg:$0x3] =	wrdreg s24  }
0xb1: {  	[dreg:$0x4] =	wrdreg s18  }
0xb2: {  	[dreg:$0x5] =	wrdreg $0x9  }
0xb3: {  	_ =	task.clear_ibuf [dreg:s8], $0x6FFFF;
	_ =	strace $0x90000046  }
0xb4: {  	s29 =	simm.s32 $0x9;
	_ =	strace $0x80000048  }
0xb5: {  	_ =	swait.ge [sflag:s29], $0x1  }
0xb6: {  	[sflag:s29] =	ssyncadd.s32 $0xFFFFFFFF  }
0xb7: {  	_ =	strace $0x90000048  }
0xb8: {  	_ =	sfence  }
0xb9: {  	s30 =	sld [smem:$0x0];
	_ =	sdelay $0x2  }
0xba: {  	s31 =	sshll.u32 s1, $0xD;
	s1 =	sshrl.u32 s1, $0x2  }
0xbb: {  	s3 =	sand.u32 $0x4000, s31;
	s1 =	sadd.s32 s1, s30  }
0xbc: {  	s0 =	sor.u32 s3, s0;
	s1 =	sshll.u32 s1, $0x11  }
0xbd: {  	s0 =	sor.u32 s1, s0  }
0xbe: {  	s0 =	sadd.s32 $0x8F2B, s0  }
0xbf: {  	[sflag:s0] =	ssyncadd.remote.s32 $0x1  }
0xc0: {  	_ =	sfence.sel $0xFFFF  }
0xc1: {  	[dreg:$0x0] =	wrdreg $0xFFFFFFFF;
	(pc) =	sbr.abs _section_cstart, $3  }
0xc2: {  	[dreg:$0x1] =	wrdreg $0xFFFFFFFF  }
0xc3: {  	_ =	task.clear_ibuf [dreg:s8], $0x2FFFF;
	_ =	strace $0x9FFFFFFF  }
0xc4: {  	(tm) =	ssettm $0x7FFFFFFF  }
0xc5: {  	_ =	shalt  }
tec
execute0_lowered:
.L_overlay_start_1:
0x0: {  	(tag) =	ssettag $0x1  }
0x1: {  	s1 =	rddreg [dreg:$0x0]  }
0x2: {  	s0 =	rddreg [dreg:$0x1]  }
0x3: {  	s3 =	rddreg [dreg:$0x2];
	s4 =	simm.s32 $0x0  }
0x4: {  	[smem:$0x7FF] =	sst s4;
	s16 =	sadd.s32 $0x400, s1  }
0x5: {  	s17 =	sadd.s32 $0x800, s1;
	_ =	strace $0x80000047;
	[dreg:$0x7] =	wrdreg s16  }
0x6: {  	s18 =	sadd.s32 $0xC00, s1;
	[dreg:$0x8] =	wrdreg s17  }
0x7: {  	s19 =	sadd.s32 $0x1000, s1;
	[dreg:$0x9] =	wrdreg s18  }
0x8: {  	s20 =	sadd.s32 $0x1400, s1;
	[dreg:$0xa] =	wrdreg s19  }
0x9: {  	s21 =	sadd.s32 $0x1800, s1;
	[dreg:$0xb] =	wrdreg s20  }
0xa: {  	s2 =	srdreg.scid;
	s22 =	sadd.s32 $0x1C00, s1;
	[dreg:$0xc] =	wrdreg s21  }
0xb: {  	s5 =	stileid.u32;
	s23 =	sadd.s32 $0x400, s3;
	[dreg:$0xd] =	wrdreg s22  }
0xc: {  	s2 =	sand.u32 $0x1, s2;
	s24 =	sadd.s32 $0x800, s3;
	[dreg:$0xe] =	wrdreg s23  }
0xd: {  	s5 =	sshll.u32 s5, $0xC;
	s25 =	sadd.s32 $0xC00, s3;
	[dreg:$0xf] =	wrdreg s24  }
0xe: {  	s26 =	sadd.s32 $0x1000, s3;
	s28 =	sadd.s32 $0x1400, s3;
	[dreg:$0x10] =	wrdreg s25  }
0xf: {  	s29 =	sadd.s32 $0x1800, s3;
	s6 =	sshll.u32 s2, $0xB;
	[dreg:$0x11] =	wrdreg s26  }
0x10: {  	s30 =	sadd.s32 $0x1C00, s3;
	[dreg:$0x12] =	wrdreg s28;
	s5 =	sor.u32 s6, s5  }
0x11: {  	s2 =	ssub.s32 $0x2, s2;
	[dreg:$0x13] =	wrdreg s29;
	s0 =	sadd.s32 s5, s0  }
0x12: {  	[dreg:$0x14] =	wrdreg s30;
	s15 =	sshrl.u32 s2, $0x1;
	s5 =	sadd.s32 $0x400, s0  }
0x13: {  	v0 =	vlaneseq.u32;
	s2 =	ssub.s32 s2, s15;
	s0 =	sadd.s32 $0x10400, s0;
	[dreg:$0x4] =	wrdreg s5  }
0x14: {  	v1 =	vshrl.u32 v0, $0x1;
	s31 =	smax.u32 s2, $0x1;
	[dreg:$0x5] =	wrdreg s0  }
0x15: {  	vm0 =	vmmov $0xffff;
	v0 =	vand.u32 $0x1, v0;
	v1 =	vmul.u32 $0x8, v1;
	[dreg:$0x6] =	wrdreg s31;
	s0 =	simm.s32 $0x0  }
.LBB2_1:
0x16: {  	[dreg:$0x15] =	wrdreg s0  }
0x17: {  	s22 =	rddreg [dreg:$0x4];
	s24 =	simm.s32 $0x9  }
0x18: {  	[tilespmem:s4], [sflag:$0x9] =	stream.linear.gather [hbm4b:s22+s4], $0x4000, $0x38;
	[tilespmem:$0x18000] =	vst v63  }
0x19: {  	_ =	swait.ge [sflag:s24], $0x4000  }
0x1a: {  	[sflag:s24] =	ssyncset.done $0x0  }
0x1b: {  	s25 =	simm.s32 $0x4000;
	s17 =	rddreg [dreg:$0x5];
	[sflag:s24] =	ssyncadd.s32 $0xFFFFC000  }
0x1c: {  	[tilespmem:s25], [sflag:$0x9] =	stream.linear.gather [hbm4b:s17+s4], $0x4000, $0x38;
	[tilespmem:$0x18000] =	vst v63  }
0x1d: {  	_ =	swait.ge [sflag:s24], $0x4000  }
0x1e: {  	[sflag:s24] =	ssyncset.done $0x0  }
0x1f: {  	[sflag:s24] =	ssyncadd.s32 $0xFFFFC000  }
0x20: {  	v2 =	vld.msk [tilespmem:$0x0], $0x3;
	_ =	sdelay $0x4  }
0x21: {  	v3 =	vshll.u32 v2, $0x6  }
0x22: {  	v2 =	vand.u32 $0x7, v2;
	v3 =	vand.u32 $0xFFFFFE00, v3  }
0x23: {  	v2 =	vor.u32 v2, v3  }
0x24: {  	v2 =	vperm.xlane v2, v0;
	_ =	sdelay $0x1  }
0x25: {  	v2 =	vadd.s32 v1, v2;
	_ =	sdelay $0x3  }
0x26: {  	s2 =	simm.s32 $0x8000;
	s1 =	rddreg [dreg:$0x0]  }
0x27: {  	[tilespmem:s2], [sflag:$0x1] =	stream.indirect_vreg.gather [hbm4b:s1+s4], $0x80, v2, vm0, $0xb8;
	[tilespmem:$0x18000] =	vst v63  }
0x28: {  	s22 =	simm.s32 $0x8800;
	s7 =	rddreg [dreg:$0x7]  }
0x29: {  	[tilespmem:s22], [sflag:$0x1] =	stream.indirect_vreg.gather [hbm4b:s7+s4], $0x80, v2, vm0, $0xb8;
	[tilespmem:$0x18000] =	vst v63  }
0x2a: {  	s8 =	rddreg [dreg:$0x8];
	s24 =	simm.s32 $0x9000  }
0x2b: {  	[tilespmem:s24], [sflag:$0x1] =	stream.indirect_vreg.gather [hbm4b:s8+s4], $0x80, v2, vm0, $0xb8;
	[tilespmem:$0x18000] =	vst v63  }
0x2c: {  	s26 =	simm.s32 $0x9800;
	s9 =	rddreg [dreg:$0x9]  }
0x2d: {  	[tilespmem:s26], [sflag:$0x1] =	stream.indirect_vreg.gather [hbm4b:s9+s4], $0x80, v2, vm0, $0xb8;
	[tilespmem:$0x18000] =	vst v63  }
0x2e: {  	s25 =	simm.s32 $0xA000;
	s10 =	rddreg [dreg:$0xa]  }
0x2f: {  	[tilespmem:s25], [sflag:$0x1] =	stream.indirect_vreg.gather [hbm4b:s10+s4], $0x80, v2, vm0, $0xb8;
	[tilespmem:$0x18000] =	vst v63  }
0x30: {  	s5 =	simm.s32 $0xA800;
	s11 =	rddreg [dreg:$0xb]  }
0x31: {  	[tilespmem:s5], [sflag:$0x1] =	stream.indirect_vreg.gather [hbm4b:s11+s4], $0x80, v2, vm0, $0xb8;
	[tilespmem:$0x18000] =	vst v63  }
0x32: {  	s28 =	simm.s32 $0xB000;
	s12 =	rddreg [dreg:$0xc]  }
0x33: {  	[tilespmem:s28], [sflag:$0x1] =	stream.indirect_vreg.gather [hbm4b:s12+s4], $0x80, v2, vm0, $0xb8;
	[tilespmem:$0x18000] =	vst v63  }
0x34: {  	s29 =	simm.s32 $0xB800;
	s13 =	rddreg [dreg:$0xd]  }
0x35: {  	[tilespmem:s29], [sflag:$0x1] =	stream.indirect_vreg.gather [hbm4b:s13+s4], $0x80, v2, vm0, $0xb8;
	[tilespmem:$0x18000] =	vst v63  }
0x36: {  	v2 =	vld.msk [tilespmem:$0x80], $0x3;
	_ =	sdelay $0x4  }
0x37: {  	v3 =	vshll.u32 v2, $0x6  }
0x38: {  	v2 =	vand.u32 $0x7, v2;
	v3 =	vand.u32 $0xFFFFFE00, v3  }
0x39: {  	v2 =	vor.u32 v2, v3  }
0x3a: {  	v2 =	vperm.xlane v2, v0;
	_ =	sdelay $0x1  }
0x3b: {  	v2 =	vadd.s32 v1, v2;
	_ =	sdelay $0x3  }
0x3c: {  	s18 =	simm.s32 $0xC000  }
0x3d: {  	[tilespmem:s18], [sflag:$0x2] =	stream.indirect_vreg.gather [hbm4b:s1+s4], $0x80, v2, vm0, $0xb8;
	[tilespmem:$0x18000] =	vst v63  }
0x3e: {  	s19 =	simm.s32 $0xC800  }
0x3f: {  	[tilespmem:s19], [sflag:$0x2] =	stream.indirect_vreg.gather [hbm4b:s7+s4], $0x80, v2, vm0, $0xb8;
	[tilespmem:$0x18000] =	vst v63  }
0x40: {  	s23 =	simm.s32 $0xD000  }
0x41: {  	[tilespmem:s23], [sflag:$0x2] =	stream.indirect_vreg.gather [hbm4b:s8+s4], $0x80, v2, vm0, $0xb8;
	[tilespmem:$0x18000] =	vst v63  }
0x42: {  	s6 =	simm.s32 $0xD800  }
0x43: {  	[tilespmem:s6], [sflag:$0x2] =	stream.indirect_vreg.gather [hbm4b:s9+s4], $0x80, v2, vm0, $0xb8;
	[tilespmem:$0x18000] =	vst v63  }
0x44: {  	s21 =	simm.s32 $0xE000  }
0x45: {  	[tilespmem:s21], [sflag:$0x2] =	stream.indirect_vreg.gather [hbm4b:s10+s4], $0x80, v2, vm0, $0xb8;
	[tilespmem:$0x18000] =	vst v63  }
0x46: {  	s30 =	simm.s32 $0xE800  }
0x47: {  	[tilespmem:s30], [sflag:$0x2] =	stream.indirect_vreg.gather [hbm4b:s11+s4], $0x80, v2, vm0, $0xb8;
	[tilespmem:$0x18000] =	vst v63  }
0x48: {  	s31 =	simm.s32 $0xF000  }
0x49: {  	[tilespmem:s31], [sflag:$0x2] =	stream.indirect_vreg.gather [hbm4b:s12+s4], $0x80, v2, vm0, $0xb8;
	[tilespmem:$0x18000] =	vst v63  }
0x4a: {  	s20 =	simm.s32 $0xF800  }
0x4b: {  	[tilespmem:s20], [sflag:$0x2] =	stream.indirect_vreg.gather [hbm4b:s13+s4], $0x80, v2, vm0, $0xb8;
	[tilespmem:$0x18000] =	vst v63  }
0x4c: {  	v2 =	vld.msk [tilespmem:$0x100], $0x3;
	_ =	sdelay $0x4  }
0x4d: {  	v3 =	vshll.u32 v2, $0x6  }
0x4e: {  	v2 =	vand.u32 $0x7, v2;
	v3 =	vand.u32 $0xFFFFFE00, v3  }
0x4f: {  	v2 =	vor.u32 v2, v3  }
0x50: {  	v2 =	vperm.xlane v2, v0;
	_ =	sdelay $0x1  }
0x51: {  	v2 =	vadd.s32 v1, v2;
	_ =	sdelay $0x3  }
0x52: {  	s3 =	simm.s32 $0x10000  }
0x53: {  	[tilespmem:s3], [sflag:$0x3] =	stream.indirect_vreg.gather [hbm4b:s1+s4], $0x80, v2, vm0, $0xb8;
	[tilespmem:$0x18000] =	vst v63  }
0x54: {  	s14 =	simm.s32 $0x10800  }
0x55: {  	[tilespmem:s14], [sflag:$0x3] =	stream.indirect_vreg.gather [hbm4b:s7+s4], $0x80, v2, vm0, $0xb8;
	[tilespmem:$0x18000] =	vst v63  }
0x56: {  	s15 =	simm.s32 $0x11000  }
0x57: {  	[tilespmem:s15], [sflag:$0x3] =	stream.indirect_vreg.gather [hbm4b:s8+s4], $0x80, v2, vm0, $0xb8;
	[tilespmem:$0x18000] =	vst v63  }
0x58: {  	s16 =	simm.s32 $0x11800  }
0x59: {  	[tilespmem:s16], [sflag:$0x3] =	stream.indirect_vreg.gather [hbm4b:s9+s4], $0x80, v2, vm0, $0xb8;
	[tilespmem:$0x18000] =	vst v63  }
0x5a: {  	s17 =	simm.s32 $0x12000  }
0x5b: {  	[tilespmem:s17], [sflag:$0x3] =	stream.indirect_vreg.gather [hbm4b:s10+s4], $0x80, v2, vm0, $0xb8;
	[tilespmem:$0x18000] =	vst v63  }
0x5c: {  	s18 =	simm.s32 $0x12800  }
0x5d: {  	[tilespmem:s18], [sflag:$0x3] =	stream.indirect_vreg.gather [hbm4b:s11+s4], $0x80, v2, vm0, $0xb8;
	[tilespmem:$0x18000] =	vst v63  }
0x5e: {  	s19 =	simm.s32 $0x13000  }
0x5f: {  	[tilespmem:s19], [sflag:$0x3] =	stream.indirect_vreg.gather [hbm4b:s12+s4], $0x80, v2, vm0, $0xb8;
	[tilespmem:$0x18000] =	vst v63  }
0x60: {  	s20 =	simm.s32 $0x13800;
	s3 =	simm.s32 $0x1  }
0x61: {  	[tilespmem:s20], [sflag:$0x3] =	stream.indirect_vreg.gather [hbm4b:s13+s4], $0x80, v2, vm0, $0xb8;
	[tilespmem:$0x18000] =	vst v63  }
0x62: {  	_ =	swait.ge [sflag:s3], $0x4000  }
0x63: {  	[sflag:s3] =	ssyncset.done $0x0  }
0x64: {  	[sflag:s3] =	ssyncadd.s32 $0xFFFFC000  }
0x65: {  	v2 =	vld.msk [tilespmem:$0x4000], $0x3;
	_ =	sdelay $0x4  }
0x66: {  	v3 =	vshll.u32 v2, $0x6  }
0x67: {  	v2 =	vand.u32 $0x7, v2;
	v3 =	vand.u32 $0xFFFFFE00, v3  }
0x68: {  	v2 =	vor.u32 v2, v3  }
0x69: {  	v2 =	vperm.xlane v2, v0;
	_ =	sdelay $0x1  }
0x6a: {  	v2 =	vadd.s32 v1, v2;
	_ =	sdelay $0x3  }
0x6b: {  	s3 =	rddreg [dreg:$0x2]  }
0x6c: {  	[hbm4b:s3+s4] =	stream.indirect_vreg.scatter [tilespmem:s2], [sflag:$0x5], $0x80, v2, vm0, $0xb8;
	[tilespmem:$0x18000] =	vst v63  }
0x6d: {  	s14 =	rddreg [dreg:$0xe]  }
0x6e: {  	[hbm4b:s14+s4] =	stream.indirect_vreg.scatter [tilespmem:s22], [sflag:$0x5], $0x80, v2, vm0, $0xb8;
	[tilespmem:$0x18000] =	vst v63  }
0x6f: {  	s15 =	rddreg [dreg:$0xf]  }
0x70: {  	[hbm4b:s15+s4] =	stream.indirect_vreg.scatter [tilespmem:s24], [sflag:$0x5], $0x80, v2, vm0, $0xb8;
	[tilespmem:$0x18000] =	vst v63  }
0x71: {  	s16 =	rddreg [dreg:$0x10]  }
0x72: {  	[hbm4b:s16+s4] =	stream.indirect_vreg.scatter [tilespmem:s26], [sflag:$0x5], $0x80, v2, vm0, $0xb8;
	[tilespmem:$0x18000] =	vst v63  }
0x73: {  	s17 =	rddreg [dreg:$0x11]  }
0x74: {  	[hbm4b:s17+s4] =	stream.indirect_vreg.scatter [tilespmem:s25], [sflag:$0x5], $0x80, v2, vm0, $0xb8;
	[tilespmem:$0x18000] =	vst v63  }
0x75: {  	s18 =	rddreg [dreg:$0x12]  }
0x76: {  	[hbm4b:s18+s4] =	stream.indirect_vreg.scatter [tilespmem:s5], [sflag:$0x5], $0x80, v2, vm0, $0xb8;
	[tilespmem:$0x18000] =	vst v63  }
0x77: {  	s19 =	rddreg [dreg:$0x13]  }
0x78: {  	[hbm4b:s19+s4] =	stream.indirect_vreg.scatter [tilespmem:s28], [sflag:$0x5], $0x80, v2, vm0, $0xb8;
	[tilespmem:$0x18000] =	vst v63  }
0x79: {  	s20 =	rddreg [dreg:$0x14]  }
0x7a: {  	[hbm4b:s20+s4] =	stream.indirect_vreg.scatter [tilespmem:s29], [sflag:$0x5], $0x80, v2, vm0, $0xb8;
	[tilespmem:$0x18000] =	vst v63  }
0x7b: {  	v2 =	vld.msk [tilespmem:$0x180], $0x3;
	_ =	sdelay $0x4  }
0x7c: {  	v3 =	vshll.u32 v2, $0x6  }
0x7d: {  	v2 =	vand.u32 $0x7, v2;
	v3 =	vand.u32 $0xFFFFFE00, v3  }
0x7e: {  	v2 =	vor.u32 v2, v3  }
0x7f: {  	v2 =	vperm.xlane v2, v0;
	_ =	sdelay $0x1  }
0x80: {  	v2 =	vadd.s32 v1, v2;
	_ =	sdelay $0x3  }
0x81: {  	s0 =	simm.s32 $0x14000  }
0x82: {  	[tilespmem:s0], [sflag:$0x4] =	stream.indirect_vreg.gather [hbm4b:s1+s4], $0x80, v2, vm0, $0xb8;
	[tilespmem:$0x18000] =	vst v63  }
0x83: {  	s0 =	simm.s32 $0x14800  }
0x84: {  	[tilespmem:s0], [sflag:$0x4] =	stream.indirect_vreg.gather [hbm4b:s7+s4], $0x80, v2, vm0, $0xb8;
	[tilespmem:$0x18000] =	vst v63  }
0x85: {  	s0 =	simm.s32 $0x15000  }
0x86: {  	[tilespmem:s0], [sflag:$0x4] =	stream.indirect_vreg.gather [hbm4b:s8+s4], $0x80, v2, vm0, $0xb8;
	[tilespmem:$0x18000] =	vst v63  }
0x87: {  	s0 =	simm.s32 $0x15800  }
0x88: {  	[tilespmem:s0], [sflag:$0x4] =	stream.indirect_vreg.gather [hbm4b:s9+s4], $0x80, v2, vm0, $0xb8;
	[tilespmem:$0x18000] =	vst v63  }
0x89: {  	s0 =	simm.s32 $0x16000  }
0x8a: {  	[tilespmem:s0], [sflag:$0x4] =	stream.indirect_vreg.gather [hbm4b:s10+s4], $0x80, v2, vm0, $0xb8;
	[tilespmem:$0x18000] =	vst v63  }
0x8b: {  	s0 =	simm.s32 $0x16800  }
0x8c: {  	[tilespmem:s0], [sflag:$0x4] =	stream.indirect_vreg.gather [hbm4b:s11+s4], $0x80, v2, vm0, $0xb8;
	[tilespmem:$0x18000] =	vst v63  }
0x8d: {  	s0 =	simm.s32 $0x17000  }
0x8e: {  	[tilespmem:s0], [sflag:$0x4] =	stream.indirect_vreg.gather [hbm4b:s12+s4], $0x80, v2, vm0, $0xb8;
	[tilespmem:$0x18000] =	vst v63  }
0x8f: {  	s0 =	simm.s32 $0x17800  }
0x90: {  	[tilespmem:s0], [sflag:$0x4] =	stream.indirect_vreg.gather [hbm4b:s13+s4], $0x80, v2, vm0, $0xb8;
	[tilespmem:$0x18000] =	vst v63  }
0x91: {  	s0 =	simm.s32 $0x2  }
0x92: {  	_ =	swait.ge [sflag:s0], $0x4000  }
0x93: {  	[sflag:s0] =	ssyncset.done $0x0  }
0x94: {  	[sflag:s0] =	ssyncadd.s32 $0xFFFFC000  }
0x95: {  	v2 =	vld.msk [tilespmem:$0x4080], $0x3;
	_ =	sdelay $0x4  }
0x96: {  	v3 =	vshll.u32 v2, $0x6  }
0x97: {  	v2 =	vand.u32 $0x7, v2;
	v3 =	vand.u32 $0xFFFFFE00, v3  }
0x98: {  	v2 =	vor.u32 v2, v3  }
0x99: {  	v2 =	vperm.xlane v2, v0;
	_ =	sdelay $0x1  }
0x9a: {  	v2 =	vadd.s32 v1, v2;
	_ =	sdelay $0x3  }
0x9b: {  	s0 =	simm.s32 $0xC000  }
0x9c: {  	[hbm4b:s3+s4] =	stream.indirect_vreg.scatter [tilespmem:s0], [sflag:$0x6], $0x80, v2, vm0, $0xb8;
	[tilespmem:$0x18000] =	vst v63  }
0x9d: {  	s0 =	simm.s32 $0xC800  }
0x9e: {  	[hbm4b:s14+s4] =	stream.indirect_vreg.scatter [tilespmem:s0], [sflag:$0x6], $0x80, v2, vm0, $0xb8;
	[tilespmem:$0x18000] =	vst v63  }
0x9f: {  	_ = 	snop  }
0xa0: {  	[hbm4b:s15+s4] =	stream.indirect_vreg.scatter [tilespmem:s23], [sflag:$0x6], $0x80, v2, vm0, $0xb8;
	[tilespmem:$0x18000] =	vst v63  }
0xa1: {  	_ = 	snop  }
0xa2: {  	[hbm4b:s16+s4] =	stream.indirect_vreg.scatter [tilespmem:s6], [sflag:$0x6], $0x80, v2, vm0, $0xb8;
	[tilespmem:$0x18000] =	vst v63  }
0xa3: {  	_ = 	snop  }
0xa4: {  	[hbm4b:s17+s4] =	stream.indirect_vreg.scatter [tilespmem:s21], [sflag:$0x6], $0x80, v2, vm0, $0xb8;
	[tilespmem:$0x18000] =	vst v63  }
0xa5: {  	_ = 	snop  }
0xa6: {  	[hbm4b:s18+s4] =	stream.indirect_vreg.scatter [tilespmem:s30], [sflag:$0x6], $0x80, v2, vm0, $0xb8;
	[tilespmem:$0x18000] =	vst v63  }
0xa7: {  	_ = 	snop  }
0xa8: {  	[hbm4b:s19+s4] =	stream.indirect_vreg.scatter [tilespmem:s31], [sflag:$0x6], $0x80, v2, vm0, $0xb8;
	[tilespmem:$0x18000] =	vst v63  }
0xa9: {  	s0 =	simm.s32 $0xF800  }
0xaa: {  	[hbm4b:s20+s4] =	stream.indirect_vreg.scatter [tilespmem:s0], [sflag:$0x6], $0x80, v2, vm0, $0xb8;
	[tilespmem:$0x18000] =	vst v63  }
0xab: {  	s0 =	simm.s32 $0x5  }
0xac: {  	_ =	swait.ge [sflag:s0], $0x4000  }
0xad: {  	[sflag:s0] =	ssyncset.done $0x0  }
0xae: {  	[sflag:s0] =	ssyncadd.s32 $0xFFFFC000  }
0xaf: {  	v2 =	vld.msk [tilespmem:$0x200], $0x3;
	_ =	sdelay $0x4  }
0xb0: {  	v3 =	vshll.u32 v2, $0x6  }
0xb1: {  	v2 =	vand.u32 $0x7, v2;
	v3 =	vand.u32 $0xFFFFFE00, v3  }
0xb2: {  	v2 =	vor.u32 v2, v3  }
0xb3: {  	v2 =	vperm.xlane v2, v0;
	_ =	sdelay $0x1  }
0xb4: {  	v2 =	vadd.s32 v1, v2;
	_ =	sdelay $0x4  }
0xb5: {  	[tilespmem:s2], [sflag:$0x1] =	stream.indirect_vreg.gather [hbm4b:s1+s4], $0x80, v2, vm0, $0xb8;
	[tilespmem:$0x18000] =	vst v63  }
0xb6: {  	_ = 	snop  }
0xb7: {  	[tilespmem:s22], [sflag:$0x1] =	stream.indirect_vreg.gather [hbm4b:s7+s4], $0x80, v2, vm0, $0xb8;
	[tilespmem:$0x18000] =	vst v63  }
0xb8: {  	_ = 	snop  }
0xb9: {  	[tilespmem:s24], [sflag:$0x1] =	stream.indirect_vreg.gather [hbm4b:s8+s4], $0x80, v2, vm0, $0xb8;
	[tilespmem:$0x18000] =	vst v63  }
0xba: {  	_ = 	snop  }
0xbb: {  	[tilespmem:s26], [sflag:$0x1] =	stream.indirect_vreg.gather [hbm4b:s9+s4], $0x80, v2, vm0, $0xb8;
	[tilespmem:$0x18000] =	vst v63  }
0xbc: {  	_ = 	snop  }
0xbd: {  	[tilespmem:s25], [sflag:$0x1] =	stream.indirect_vreg.gather [hbm4b:s10+s4], $0x80, v2, vm0, $0xb8;
	[tilespmem:$0x18000] =	vst v63  }
0xbe: {  	_ = 	snop  }
0xbf: {  	[tilespmem:s5], [sflag:$0x1] =	stream.indirect_vreg.gather [hbm4b:s11+s4], $0x80, v2, vm0, $0xb8;
	[tilespmem:$0x18000] =	vst v63  }
0xc0: {  	_ = 	snop  }
0xc1: {  	[tilespmem:s28], [sflag:$0x1] =	stream.indirect_vreg.gather [hbm4b:s12+s4], $0x80, v2, vm0, $0xb8;
	[tilespmem:$0x18000] =	vst v63  }
0xc2: {  	s22 =	simm.s32 $0x3  }
0xc3: {  	[tilespmem:s29], [sflag:$0x1] =	stream.indirect_vreg.gather [hbm4b:s13+s4], $0x80, v2, vm0, $0xb8;
	[tilespmem:$0x18000] =	vst v63  }
0xc4: {  	_ =	swait.ge [sflag:s22], $0x4000  }
0xc5: {  	[sflag:s22] =	ssyncset.done $0x0  }
0xc6: {  	[sflag:s22] =	ssyncadd.s32 $0xFFFFC000  }
0xc7: {  	v2 =	vld.msk [tilespmem:$0x4100], $0x3;
	_ =	sdelay $0x4  }
0xc8: {  	v3 =	vshll.u32 v2, $0x6  }
0xc9: {  	v2 =	vand.u32 $0x7, v2;
	v3 =	vand.u32 $0xFFFFFE00, v3  }
0xca: {  	v2 =	vor.u32 v2, v3  }
0xcb: {  	v2 =	vperm.xlane v2, v0;
	_ =	sdelay $0x1  }
0xcc: {  	v2 =	vadd.s32 v1, v2;
	_ =	sdelay $0x3  }
0xcd: {  	s2 =	simm.s32 $0x10000  }
0xce: {  	[hbm4b:s3+s4] =	stream.indirect_vreg.scatter [tilespmem:s2], [sflag:$0x7], $0x80, v2, vm0, $0xb8;
	[tilespmem:$0x18000] =	vst v63  }
0xcf: {  	s5 =	simm.s32 $0x10800  }
0xd0: {  	[hbm4b:s14+s4] =	stream.indirect_vreg.scatter [tilespmem:s5], [sflag:$0x7], $0x80, v2, vm0, $0xb8;
	[tilespmem:$0x18000] =	vst v63  }
0xd1: {  	s22 =	simm.s32 $0x11000  }
0xd2: {  	[hbm4b:s15+s4] =	stream.indirect_vreg.scatter [tilespmem:s22], [sflag:$0x7], $0x80, v2, vm0, $0xb8;
	[tilespmem:$0x18000] =	vst v63  }
0xd3: {  	s24 =	simm.s32 $0x11800  }
0xd4: {  	[hbm4b:s16+s4] =	stream.indirect_vreg.scatter [tilespmem:s24], [sflag:$0x7], $0x80, v2, vm0, $0xb8;
	[tilespmem:$0x18000] =	vst v63  }
0xd5: {  	s25 =	simm.s32 $0x12000  }
0xd6: {  	[hbm4b:s17+s4] =	stream.indirect_vreg.scatter [tilespmem:s25], [sflag:$0x7], $0x80, v2, vm0, $0xb8;
	[tilespmem:$0x18000] =	vst v63  }
0xd7: {  	s26 =	simm.s32 $0x12800  }
0xd8: {  	[hbm4b:s18+s4] =	stream.indirect_vreg.scatter [tilespmem:s26], [sflag:$0x7], $0x80, v2, vm0, $0xb8;
	[tilespmem:$0x18000] =	vst v63  }
0xd9: {  	s28 =	simm.s32 $0x13000  }
0xda: {  	[hbm4b:s19+s4] =	stream.indirect_vreg.scatter [tilespmem:s28], [sflag:$0x7], $0x80, v2, vm0, $0xb8;
	[tilespmem:$0x18000] =	vst v63  }
0xdb: {  	s0 =	simm.s32 $0x6;
	s29 =	simm.s32 $0x13800  }
0xdc: {  	[hbm4b:s20+s4] =	stream.indirect_vreg.scatter [tilespmem:s29], [sflag:$0x7], $0x80, v2, vm0, $0xb8;
	[tilespmem:$0x18000] =	vst v63  }
0xdd: {  	_ =	swait.ge [sflag:s0], $0x4000  }
0xde: {  	[sflag:s0] =	ssyncset.done $0x0  }
0xdf: {  	[sflag:s0] =	ssyncadd.s32 $0xFFFFC000  }
0xe0: {  	v2 =	vld.msk [tilespmem:$0x280], $0x3;
	_ =	sdelay $0x4  }
0xe1: {  	v3 =	vshll.u32 v2, $0x6  }
0xe2: {  	v2 =	vand.u32 $0x7, v2;
	v3 =	vand.u32 $0xFFFFFE00, v3  }
0xe3: {  	v2 =	vor.u32 v2, v3  }
0xe4: {  	v2 =	vperm.xlane v2, v0;
	_ =	sdelay $0x1  }
0xe5: {  	v2 =	vadd.s32 v1, v2;
	_ =	sdelay $0x3  }
0xe6: {  	s0 =	simm.s32 $0xC000  }
0xe7: {  	[tilespmem:s0], [sflag:$0x2] =	stream.indirect_vreg.gather [hbm4b:s1+s4], $0x80, v2, vm0, $0xb8;
	[tilespmem:$0x18000] =	vst v63  }
0xe8: {  	s0 =	simm.s32 $0xC800  }
0xe9: {  	[tilespmem:s0], [sflag:$0x2] =	stream.indirect_vreg.gather [hbm4b:s7+s4], $0x80, v2, vm0, $0xb8;
	[tilespmem:$0x18000] =	vst v63  }
0xea: {  	_ = 	snop  }
0xeb: {  	[tilespmem:s23], [sflag:$0x2] =	stream.indirect_vreg.gather [hbm4b:s8+s4], $0x80, v2, vm0, $0xb8;
	[tilespmem:$0x18000] =	vst v63  }
0xec: {  	_ = 	snop  }
0xed: {  	[tilespmem:s6], [sflag:$0x2] =	stream.indirect_vreg.gather [hbm4b:s9+s4], $0x80, v2, vm0, $0xb8;
	[tilespmem:$0x18000] =	vst v63  }
0xee: {  	_ = 	snop  }
0xef: {  	[tilespmem:s21], [sflag:$0x2] =	stream.indirect_vreg.gather [hbm4b:s10+s4], $0x80, v2, vm0, $0xb8;
	[tilespmem:$0x18000] =	vst v63  }
0xf0: {  	_ = 	snop  }
0xf1: {  	[tilespmem:s30], [sflag:$0x2] =	stream.indirect_vreg.gather [hbm4b:s11+s4], $0x80, v2, vm0, $0xb8;
	[tilespmem:$0x18000] =	vst v63  }
0xf2: {  	_ = 	snop  }
0xf3: {  	[tilespmem:s31], [sflag:$0x2] =	stream.indirect_vreg.gather [hbm4b:s12+s4], $0x80, v2, vm0, $0xb8;
	[tilespmem:$0x18000] =	vst v63  }
0xf4: {  	s23 =	simm.s32 $0xF800;
	s30 =	simm.s32 $0x4  }
0xf5: {  	[tilespmem:s23], [sflag:$0x2] =	stream.indirect_vreg.gather [hbm4b:s13+s4], $0x80, v2, vm0, $0xb8;
	[tilespmem:$0x18000] =	vst v63  }
0xf6: {  	_ =	swait.ge [sflag:s30], $0x4000  }
0xf7: {  	[sflag:s30] =	ssyncset.done $0x0  }
0xf8: {  	[sflag:s30] =	ssyncadd.s32 $0xFFFFC000  }
0xf9: {  	v2 =	vld.msk [tilespmem:$0x4180], $0x3;
	_ =	sdelay $0x4  }
0xfa: {  	v3 =	vshll.u32 v2, $0x6  }
0xfb: {  	v2 =	vand.u32 $0x7, v2;
	v3 =	vand.u32 $0xFFFFFE00, v3  }
0xfc: {  	v2 =	vor.u32 v2, v3  }
0xfd: {  	v2 =	vperm.xlane v2, v0;
	_ =	sdelay $0x1  }
0xfe: {  	v2 =	vadd.s32 v1, v2;
	_ =	sdelay $0x3  }
0xff: {  	s31 =	simm.s32 $0x14000  }
0x100: {  	[hbm4b:s3+s4] =	stream.indirect_vreg.scatter [tilespmem:s31], [sflag:$0x8], $0x80, v2, vm0, $0xb8;
	[tilespmem:$0x18000] =	vst v63  }
0x101: {  	s6 =	simm.s32 $0x14800  }
0x102: {  	[hbm4b:s14+s4] =	stream.indirect_vreg.scatter [tilespmem:s6], [sflag:$0x8], $0x80, v2, vm0, $0xb8;
	[tilespmem:$0x18000] =	vst v63  }
0x103: {  	s14 =	simm.s32 $0x15000  }
0x104: {  	[hbm4b:s15+s4] =	stream.indirect_vreg.scatter [tilespmem:s14], [sflag:$0x8], $0x80, v2, vm0, $0xb8;
	[tilespmem:$0x18000] =	vst v63  }
0x105: {  	s15 =	simm.s32 $0x15800  }
0x106: {  	[hbm4b:s16+s4] =	stream.indirect_vreg.scatter [tilespmem:s15], [sflag:$0x8], $0x80, v2, vm0, $0xb8;
	[tilespmem:$0x18000] =	vst v63  }
0x107: {  	s16 =	simm.s32 $0x16000  }
0x108: {  	[hbm4b:s17+s4] =	stream.indirect_vreg.scatter [tilespmem:s16], [sflag:$0x8], $0x80, v2, vm0, $0xb8;
	[tilespmem:$0x18000] =	vst v63  }
0x109: {  	s21 =	simm.s32 $0x16800  }
0x10a: {  	[hbm4b:s18+s4] =	stream.indirect_vreg.scatter [tilespmem:s21], [sflag:$0x8], $0x80, v2, vm0, $0xb8;
	[tilespmem:$0x18000] =	vst v63  }
0x10b: {  	s23 =	simm.s32 $0x17000  }
0x10c: {  	[hbm4b:s19+s4] =	stream.indirect_vreg.scatter [tilespmem:s23], [sflag:$0x8], $0x80, v2, vm0, $0xb8;
	[tilespmem:$0x18000] =	vst v63  }
0x10d: {  	s30 =	simm.s32 $0x17800;
	s31 =	simm.s32 $0x7  }
0x10e: {  	[hbm4b:s20+s4] =	stream.indirect_vreg.scatter [tilespmem:s30], [sflag:$0x8], $0x80, v2, vm0, $0xb8;
	[tilespmem:$0x18000] =	vst v63  }
0x10f: {  	_ =	swait.ge [sflag:s31], $0x4000  }
0x110: {  	[sflag:s31] =	ssyncset.done $0x0  }
0x111: {  	[sflag:s31] =	ssyncadd.s32 $0xFFFFC000  }
0x112: {  	v2 =	vld.msk [tilespmem:$0x300], $0x3;
	_ =	sdelay $0x4  }
0x113: {  	v3 =	vshll.u32 v2, $0x6  }
0x114: {  	v2 =	vand.u32 $0x7, v2;
	v3 =	vand.u32 $0xFFFFFE00, v3  }
0x115: {  	v2 =	vor.u32 v2, v3  }
0x116: {  	v2 =	vperm.xlane v2, v0;
	_ =	sdelay $0x1  }
0x117: {  	v2 =	vadd.s32 v1, v2;
	_ =	sdelay $0x4  }
0x118: {  	[tilespmem:s2], [sflag:$0x3] =	stream.indirect_vreg.gather [hbm4b:s1+s4], $0x80, v2, vm0, $0xb8;
	[tilespmem:$0x18000] =	vst v63  }
0x119: {  	_ = 	snop  }
0x11a: {  	[tilespmem:s5], [sflag:$0x3] =	stream.indirect_vreg.gather [hbm4b:s7+s4], $0x80, v2, vm0, $0xb8;
	[tilespmem:$0x18000] =	vst v63  }
0x11b: {  	_ = 	snop  }
0x11c: {  	[tilespmem:s22], [sflag:$0x3] =	stream.indirect_vreg.gather [hbm4b:s8+s4], $0x80, v2, vm0, $0xb8;
	[tilespmem:$0x18000] =	vst v63  }
0x11d: {  	_ = 	snop  }
0x11e: {  	[tilespmem:s24], [sflag:$0x3] =	stream.indirect_vreg.gather [hbm4b:s9+s4], $0x80, v2, vm0, $0xb8;
	[tilespmem:$0x18000] =	vst v63  }
0x11f: {  	_ = 	snop  }
0x120: {  	[tilespmem:s25], [sflag:$0x3] =	stream.indirect_vreg.gather [hbm4b:s10+s4], $0x80, v2, vm0, $0xb8;
	[tilespmem:$0x18000] =	vst v63  }
0x121: {  	_ = 	snop  }
0x122: {  	[tilespmem:s26], [sflag:$0x3] =	stream.indirect_vreg.gather [hbm4b:s11+s4], $0x80, v2, vm0, $0xb8;
	[tilespmem:$0x18000] =	vst v63  }
0x123: {  	_ = 	snop  }
0x124: {  	[tilespmem:s28], [sflag:$0x3] =	stream.indirect_vreg.gather [hbm4b:s12+s4], $0x80, v2, vm0, $0xb8;
	[tilespmem:$0x18000] =	vst v63  }
0x125: {  	s22 =	simm.s32 $0x0  }
0x126: {  	[tilespmem:s29], [sflag:$0x3] =	stream.indirect_vreg.gather [hbm4b:s13+s4], $0x80, v2, vm0, $0xb8;
	[tilespmem:$0x18000] =	vst v63  }
.LBB2_2:
0x127: {  	s0 =	simm.s32 $0x1  }
0x128: {  	_ =	swait.ge [sflag:s0], $0x4000  }
0x129: {  	[sflag:s0] =	ssyncset.done $0x0  }
0x12a: {  	s12 =	simm.s32 $0x8;
	[sflag:s0] =	ssyncadd.s32 $0xFFFFC000  }
0x12b: {  	_ =	swait.ge [sflag:s12], $0x4000  }
0x12c: {  	[sflag:s12] =	ssyncset.done $0x0  }
0x12d: {  	s24 =	sshra.s32 s22, $0x2;
	[sflag:s12] =	ssyncadd.s32 $0xFFFFC000  }
0x12e: {  	v2 =	vld.msk [tilespmem:s24+$0x380], $0x3;
	_ =	sdelay $0x4  }
0x12f: {  	v3 =	vshll.u32 v2, $0x6  }
0x130: {  	v2 =	vand.u32 $0x7, v2;
	v3 =	vand.u32 $0xFFFFFE00, v3  }
0x131: {  	v2 =	vor.u32 v2, v3  }
0x132: {  	v2 =	vperm.xlane v2, v0;
	_ =	sdelay $0x1  }
0x133: {  	v2 =	vadd.s32 v1, v2;
	_ =	sdelay $0x3  }
0x134: {  	s13 =	simm.s32 $0x14000;
	s3 =	rddreg [dreg:$0x0]  }
0x135: {  	[tilespmem:s13], [sflag:$0x4] =	stream.indirect_vreg.gather [hbm4b:s3+s4], $0x80, v2, vm0, $0xb8;
	[tilespmem:$0x18000] =	vst v63  }
0x136: {  	s14 =	simm.s32 $0x14800;
	s8 =	rddreg [dreg:$0x7]  }
0x137: {  	[tilespmem:s14], [sflag:$0x4] =	stream.indirect_vreg.gather [hbm4b:s8+s4], $0x80, v2, vm0, $0xb8;
	[tilespmem:$0x18000] =	vst v63  }
0x138: {  	s15 =	simm.s32 $0x15000;
	s9 =	rddreg [dreg:$0x8]  }
0x139: {  	[tilespmem:s15], [sflag:$0x4] =	stream.indirect_vreg.gather [hbm4b:s9+s4], $0x80, v2, vm0, $0xb8;
	[tilespmem:$0x18000] =	vst v63  }
0x13a: {  	s16 =	simm.s32 $0x15800;
	s10 =	rddreg [dreg:$0x9]  }
0x13b: {  	[tilespmem:s16], [sflag:$0x4] =	stream.indirect_vreg.gather [hbm4b:s10+s4], $0x80, v2, vm0, $0xb8;
	[tilespmem:$0x18000] =	vst v63  }
0x13c: {  	s17 =	simm.s32 $0x16000;
	s11 =	rddreg [dreg:$0xa]  }
0x13d: {  	[tilespmem:s17], [sflag:$0x4] =	stream.indirect_vreg.gather [hbm4b:s11+s4], $0x80, v2, vm0, $0xb8;
	[tilespmem:$0x18000] =	vst v63  }
0x13e: {  	s18 =	simm.s32 $0x16800;
	s12 =	rddreg [dreg:$0xb]  }
0x13f: {  	[tilespmem:s18], [sflag:$0x4] =	stream.indirect_vreg.gather [hbm4b:s12+s4], $0x80, v2, vm0, $0xb8;
	[tilespmem:$0x18000] =	vst v63  }
0x140: {  	s19 =	simm.s32 $0x17000;
	s13 =	rddreg [dreg:$0xc]  }
0x141: {  	[tilespmem:s19], [sflag:$0x4] =	stream.indirect_vreg.gather [hbm4b:s13+s4], $0x80, v2, vm0, $0xb8;
	[tilespmem:$0x18000] =	vst v63  }
0x142: {  	s20 =	simm.s32 $0x17800;
	s14 =	rddreg [dreg:$0xd]  }
0x143: {  	[tilespmem:s20], [sflag:$0x4] =	stream.indirect_vreg.gather [hbm4b:s14+s4], $0x80, v2, vm0, $0xb8;
	[tilespmem:$0x18000] =	vst v63  }
0x144: {  	v2 =	vld.msk [tilespmem:s24+$0x4200], $0x3;
	_ =	sdelay $0x4  }
0x145: {  	v3 =	vshll.u32 v2, $0x6  }
0x146: {  	v2 =	vand.u32 $0x7, v2;
	v3 =	vand.u32 $0xFFFFFE00, v3  }
0x147: {  	v2 =	vor.u32 v2, v3  }
0x148: {  	v2 =	vperm.xlane v2, v0;
	_ =	sdelay $0x1  }
0x149: {  	v2 =	vadd.s32 v1, v2;
	_ =	sdelay $0x3  }
0x14a: {  	s2 =	simm.s32 $0x8000;
	s7 =	rddreg [dreg:$0x2]  }
0x14b: {  	[hbm4b:s7+s4] =	stream.indirect_vreg.scatter [tilespmem:s2], [sflag:$0x5], $0x80, v2, vm0, $0xb8;
	[tilespmem:$0x18000] =	vst v63  }
0x14c: {  	s28 =	simm.s32 $0x8800;
	s15 =	rddreg [dreg:$0xe]  }
0x14d: {  	[hbm4b:s15+s4] =	stream.indirect_vreg.scatter [tilespmem:s28], [sflag:$0x5], $0x80, v2, vm0, $0xb8;
	[tilespmem:$0x18000] =	vst v63  }
0x14e: {  	s29 =	simm.s32 $0x9000;
	s16 =	rddreg [dreg:$0xf]  }
0x14f: {  	[hbm4b:s16+s4] =	stream.indirect_vreg.scatter [tilespmem:s29], [sflag:$0x5], $0x80, v2, vm0, $0xb8;
	[tilespmem:$0x18000] =	vst v63  }
0x150: {  	s25 =	simm.s32 $0x9800;
	s17 =	rddreg [dreg:$0x10]  }
0x151: {  	[hbm4b:s17+s4] =	stream.indirect_vreg.scatter [tilespmem:s25], [sflag:$0x5], $0x80, v2, vm0, $0xb8;
	[tilespmem:$0x18000] =	vst v63  }
0x152: {  	s5 =	simm.s32 $0xA000;
	s18 =	rddreg [dreg:$0x11]  }
0x153: {  	[hbm4b:s18+s4] =	stream.indirect_vreg.scatter [tilespmem:s5], [sflag:$0x5], $0x80, v2, vm0, $0xb8;
	[tilespmem:$0x18000] =	vst v63  }
0x154: {  	s30 =	simm.s32 $0xA800;
	s19 =	rddreg [dreg:$0x12]  }
0x155: {  	[hbm4b:s19+s4] =	stream.indirect_vreg.scatter [tilespmem:s30], [sflag:$0x5], $0x80, v2, vm0, $0xb8;
	[tilespmem:$0x18000] =	vst v63  }
0x156: {  	s31 =	simm.s32 $0xB000;
	s20 =	rddreg [dreg:$0x13]  }
0x157: {  	[hbm4b:s20+s4] =	stream.indirect_vreg.scatter [tilespmem:s31], [sflag:$0x5], $0x80, v2, vm0, $0xb8;
	[tilespmem:$0x18000] =	vst v63  }
0x158: {  	s21 =	simm.s32 $0xB800;
	s1 =	simm.s32 $0x2;
	s26 =	rddreg [dreg:$0x14]  }
0x159: {  	[hbm4b:s26+s4] =	stream.indirect_vreg.scatter [tilespmem:s21], [sflag:$0x5], $0x80, v2, vm0, $0xb8;
	[tilespmem:$0x18000] =	vst v63  }
0x15a: {  	_ =	swait.ge [sflag:s1], $0x4000  }
0x15b: {  	[sflag:s1] =	ssyncset.done $0x0  }
0x15c: {  	s23 =	simm.s32 $0x5;
	[sflag:s1] =	ssyncadd.s32 $0xFFFFC000  }
0x15d: {  	_ =	swait.ge [sflag:s23], $0x4000  }
0x15e: {  	[sflag:s23] =	ssyncset.done $0x0  }
0x15f: {  	[sflag:s23] =	ssyncadd.s32 $0xFFFFC000  }
0x160: {  	v2 =	vld.msk [tilespmem:s24+$0x400], $0x3;
	_ =	sdelay $0x4  }
0x161: {  	v3 =	vshll.u32 v2, $0x6  }
0x162: {  	v2 =	vand.u32 $0x7, v2;
	v3 =	vand.u32 $0xFFFFFE00, v3  }
0x163: {  	v2 =	vor.u32 v2, v3  }
0x164: {  	v2 =	vperm.xlane v2, v0;
	_ =	sdelay $0x1  }
0x165: {  	v2 =	vadd.s32 v1, v2;
	_ =	sdelay $0x4  }
0x166: {  	[tilespmem:s2], [sflag:$0x1] =	stream.indirect_vreg.gather [hbm4b:s3+s4], $0x80, v2, vm0, $0xb8;
	[tilespmem:$0x18000] =	vst v63  }
0x167: {  	_ = 	snop  }
0x168: {  	[tilespmem:s28], [sflag:$0x1] =	stream.indirect_vreg.gather [hbm4b:s8+s4], $0x80, v2, vm0, $0xb8;
	[tilespmem:$0x18000] =	vst v63  }
0x169: {  	_ = 	snop  }
0x16a: {  	[tilespmem:s29], [sflag:$0x1] =	stream.indirect_vreg.gather [hbm4b:s9+s4], $0x80, v2, vm0, $0xb8;
	[tilespmem:$0x18000] =	vst v63  }
0x16b: {  	_ = 	snop  }
0x16c: {  	[tilespmem:s25], [sflag:$0x1] =	stream.indirect_vreg.gather [hbm4b:s10+s4], $0x80, v2, vm0, $0xb8;
	[tilespmem:$0x18000] =	vst v63  }
0x16d: {  	_ = 	snop  }
0x16e: {  	[tilespmem:s5], [sflag:$0x1] =	stream.indirect_vreg.gather [hbm4b:s11+s4], $0x80, v2, vm0, $0xb8;
	[tilespmem:$0x18000] =	vst v63  }
0x16f: {  	_ = 	snop  }
0x170: {  	[tilespmem:s30], [sflag:$0x1] =	stream.indirect_vreg.gather [hbm4b:s12+s4], $0x80, v2, vm0, $0xb8;
	[tilespmem:$0x18000] =	vst v63  }
0x171: {  	_ = 	snop  }
0x172: {  	[tilespmem:s31], [sflag:$0x1] =	stream.indirect_vreg.gather [hbm4b:s13+s4], $0x80, v2, vm0, $0xb8;
	[tilespmem:$0x18000] =	vst v63  }
0x173: {  	_ = 	snop  }
0x174: {  	[tilespmem:s21], [sflag:$0x1] =	stream.indirect_vreg.gather [hbm4b:s14+s4], $0x80, v2, vm0, $0xb8;
	[tilespmem:$0x18000] =	vst v63  }
0x175: {  	v2 =	vld.msk [tilespmem:s24+$0x4280], $0x3;
	_ =	sdelay $0x4  }
0x176: {  	v3 =	vshll.u32 v2, $0x6  }
0x177: {  	v2 =	vand.u32 $0x7, v2;
	v3 =	vand.u32 $0xFFFFFE00, v3  }
0x178: {  	v2 =	vor.u32 v2, v3  }
0x179: {  	v2 =	vperm.xlane v2, v0;
	_ =	sdelay $0x1  }
0x17a: {  	v2 =	vadd.s32 v1, v2;
	_ =	sdelay $0x3  }
0x17b: {  	s1 =	simm.s32 $0xC000  }
0x17c: {  	[hbm4b:s7+s4] =	stream.indirect_vreg.scatter [tilespmem:s1], [sflag:$0x6], $0x80, v2, vm0, $0xb8;
	[tilespmem:$0x18000] =	vst v63  }
0x17d: {  	s23 =	simm.s32 $0xC800  }
0x17e: {  	[hbm4b:s15+s4] =	stream.indirect_vreg.scatter [tilespmem:s23], [sflag:$0x6], $0x80, v2, vm0, $0xb8;
	[tilespmem:$0x18000] =	vst v63  }
0x17f: {  	s6 =	simm.s32 $0xD000  }
0x180: {  	[hbm4b:s16+s4] =	stream.indirect_vreg.scatter [tilespmem:s6], [sflag:$0x6], $0x80, v2, vm0, $0xb8;
	[tilespmem:$0x18000] =	vst v63  }
0x181: {  	s21 =	simm.s32 $0xD800  }
0x182: {  	[hbm4b:s17+s4] =	stream.indirect_vreg.scatter [tilespmem:s21], [sflag:$0x6], $0x80, v2, vm0, $0xb8;
	[tilespmem:$0x18000] =	vst v63  }
0x183: {  	s0 =	simm.s32 $0xE000  }
0x184: {  	[hbm4b:s18+s4] =	stream.indirect_vreg.scatter [tilespmem:s0], [sflag:$0x6], $0x80, v2, vm0, $0xb8;
	[tilespmem:$0x18000] =	vst v63  }
0x185: {  	s5 =	simm.s32 $0xE800  }
0x186: {  	[hbm4b:s19+s4] =	stream.indirect_vreg.scatter [tilespmem:s5], [sflag:$0x6], $0x80, v2, vm0, $0xb8;
	[tilespmem:$0x18000] =	vst v63  }
0x187: {  	s25 =	simm.s32 $0xF000  }
0x188: {  	[hbm4b:s20+s4] =	stream.indirect_vreg.scatter [tilespmem:s25], [sflag:$0x6], $0x80, v2, vm0, $0xb8;
	[tilespmem:$0x18000] =	vst v63  }
0x189: {  	s28 =	simm.s32 $0x3;
	s29 =	simm.s32 $0xF800  }
0x18a: {  	[hbm4b:s26+s4] =	stream.indirect_vreg.scatter [tilespmem:s29], [sflag:$0x6], $0x80, v2, vm0, $0xb8;
	[tilespmem:$0x18000] =	vst v63  }
0x18b: {  	_ =	swait.ge [sflag:s28], $0x4000  }
0x18c: {  	[sflag:s28] =	ssyncset.done $0x0  }
0x18d: {  	[sflag:s28] =	ssyncadd.s32 $0xFFFFC000;
	s28 =	simm.s32 $0x6  }
0x18e: {  	_ =	swait.ge [sflag:s28], $0x4000  }
0x18f: {  	[sflag:s28] =	ssyncset.done $0x0  }
0x190: {  	[sflag:s28] =	ssyncadd.s32 $0xFFFFC000  }
0x191: {  	v2 =	vld.msk [tilespmem:s24+$0x480], $0x3;
	_ =	sdelay $0x4  }
0x192: {  	v3 =	vshll.u32 v2, $0x6  }
0x193: {  	v2 =	vand.u32 $0x7, v2;
	v3 =	vand.u32 $0xFFFFFE00, v3  }
0x194: {  	v2 =	vor.u32 v2, v3  }
0x195: {  	v2 =	vperm.xlane v2, v0;
	_ =	sdelay $0x1  }
0x196: {  	v2 =	vadd.s32 v1, v2;
	_ =	sdelay $0x4  }
0x197: {  	[tilespmem:s1], [sflag:$0x2] =	stream.indirect_vreg.gather [hbm4b:s3+s4], $0x80, v2, vm0, $0xb8;
	[tilespmem:$0x18000] =	vst v63  }
0x198: {  	_ = 	snop  }
0x199: {  	[tilespmem:s23], [sflag:$0x2] =	stream.indirect_vreg.gather [hbm4b:s8+s4], $0x80, v2, vm0, $0xb8;
	[tilespmem:$0x18000] =	vst v63  }
0x19a: {  	_ = 	snop  }
0x19b: {  	[tilespmem:s6], [sflag:$0x2] =	stream.indirect_vreg.gather [hbm4b:s9+s4], $0x80, v2, vm0, $0xb8;
	[tilespmem:$0x18000] =	vst v63  }
0x19c: {  	_ = 	snop  }
0x19d: {  	[tilespmem:s21], [sflag:$0x2] =	stream.indirect_vreg.gather [hbm4b:s10+s4], $0x80, v2, vm0, $0xb8;
	[tilespmem:$0x18000] =	vst v63  }
0x19e: {  	_ = 	snop  }
0x19f: {  	[tilespmem:s0], [sflag:$0x2] =	stream.indirect_vreg.gather [hbm4b:s11+s4], $0x80, v2, vm0, $0xb8;
	[tilespmem:$0x18000] =	vst v63  }
0x1a0: {  	_ = 	snop  }
0x1a1: {  	[tilespmem:s5], [sflag:$0x2] =	stream.indirect_vreg.gather [hbm4b:s12+s4], $0x80, v2, vm0, $0xb8;
	[tilespmem:$0x18000] =	vst v63  }
0x1a2: {  	_ = 	snop  }
0x1a3: {  	[tilespmem:s25], [sflag:$0x2] =	stream.indirect_vreg.gather [hbm4b:s13+s4], $0x80, v2, vm0, $0xb8;
	[tilespmem:$0x18000] =	vst v63  }
0x1a4: {  	_ = 	snop  }
0x1a5: {  	[tilespmem:s29], [sflag:$0x2] =	stream.indirect_vreg.gather [hbm4b:s14+s4], $0x80, v2, vm0, $0xb8;
	[tilespmem:$0x18000] =	vst v63  }
0x1a6: {  	v2 =	vld.msk [tilespmem:s24+$0x4300], $0x3;
	_ =	sdelay $0x4  }
0x1a7: {  	v3 =	vshll.u32 v2, $0x6  }
0x1a8: {  	v2 =	vand.u32 $0x7, v2;
	v3 =	vand.u32 $0xFFFFFE00, v3  }
0x1a9: {  	v2 =	vor.u32 v2, v3  }
0x1aa: {  	v2 =	vperm.xlane v2, v0;
	_ =	sdelay $0x1  }
0x1ab: {  	v2 =	vadd.s32 v1, v2;
	_ =	sdelay $0x3  }
0x1ac: {  	s0 =	simm.s32 $0x10000  }
0x1ad: {  	[hbm4b:s7+s4] =	stream.indirect_vreg.scatter [tilespmem:s0], [sflag:$0x7], $0x80, v2, vm0, $0xb8;
	[tilespmem:$0x18000] =	vst v63  }
0x1ae: {  	s1 =	simm.s32 $0x10800  }
0x1af: {  	[hbm4b:s15+s4] =	stream.indirect_vreg.scatter [tilespmem:s1], [sflag:$0x7], $0x80, v2, vm0, $0xb8;
	[tilespmem:$0x18000] =	vst v63  }
0x1b0: {  	s5 =	simm.s32 $0x11000  }
0x1b1: {  	[hbm4b:s16+s4] =	stream.indirect_vreg.scatter [tilespmem:s5], [sflag:$0x7], $0x80, v2, vm0, $0xb8;
	[tilespmem:$0x18000] =	vst v63  }
0x1b2: {  	s6 =	simm.s32 $0x11800  }
0x1b3: {  	[hbm4b:s17+s4] =	stream.indirect_vreg.scatter [tilespmem:s6], [sflag:$0x7], $0x80, v2, vm0, $0xb8;
	[tilespmem:$0x18000] =	vst v63  }
0x1b4: {  	s21 =	simm.s32 $0x12000  }
0x1b5: {  	[hbm4b:s18+s4] =	stream.indirect_vreg.scatter [tilespmem:s21], [sflag:$0x7], $0x80, v2, vm0, $0xb8;
	[tilespmem:$0x18000] =	vst v63  }
0x1b6: {  	s23 =	simm.s32 $0x12800  }
0x1b7: {  	[hbm4b:s19+s4] =	stream.indirect_vreg.scatter [tilespmem:s23], [sflag:$0x7], $0x80, v2, vm0, $0xb8;
	[tilespmem:$0x18000] =	vst v63  }
0x1b8: {  	s28 =	simm.s32 $0x13000  }
0x1b9: {  	[hbm4b:s20+s4] =	stream.indirect_vreg.scatter [tilespmem:s28], [sflag:$0x7], $0x80, v2, vm0, $0xb8;
	[tilespmem:$0x18000] =	vst v63  }
0x1ba: {  	s25 =	simm.s32 $0x4;
	s29 =	simm.s32 $0x13800  }
0x1bb: {  	[hbm4b:s26+s4] =	stream.indirect_vreg.scatter [tilespmem:s29], [sflag:$0x7], $0x80, v2, vm0, $0xb8;
	[tilespmem:$0x18000] =	vst v63  }
0x1bc: {  	_ =	swait.ge [sflag:s25], $0x4000  }
0x1bd: {  	[sflag:s25] =	ssyncset.done $0x0  }
0x1be: {  	[sflag:s25] =	ssyncadd.s32 $0xFFFFC000;
	s25 =	simm.s32 $0x7  }
0x1bf: {  	_ =	swait.ge [sflag:s25], $0x4000  }
0x1c0: {  	[sflag:s25] =	ssyncset.done $0x0  }
0x1c1: {  	[sflag:s25] =	ssyncadd.s32 $0xFFFFC000  }
0x1c2: {  	v2 =	vld.msk [tilespmem:s24+$0x500], $0x3;
	_ =	sdelay $0x4  }
0x1c3: {  	v3 =	vshll.u32 v2, $0x6  }
0x1c4: {  	v2 =	vand.u32 $0x7, v2;
	v3 =	vand.u32 $0xFFFFFE00, v3  }
0x1c5: {  	v2 =	vor.u32 v2, v3  }
0x1c6: {  	v2 =	vperm.xlane v2, v0;
	_ =	sdelay $0x1  }
0x1c7: {  	v2 =	vadd.s32 v1, v2;
	_ =	sdelay $0x4  }
0x1c8: {  	[tilespmem:s0], [sflag:$0x3] =	stream.indirect_vreg.gather [hbm4b:s3+s4], $0x80, v2, vm0, $0xb8;
	[tilespmem:$0x18000] =	vst v63  }
0x1c9: {  	_ = 	snop  }
0x1ca: {  	[tilespmem:s1], [sflag:$0x3] =	stream.indirect_vreg.gather [hbm4b:s8+s4], $0x80, v2, vm0, $0xb8;
	[tilespmem:$0x18000] =	vst v63  }
0x1cb: {  	_ = 	snop  }
0x1cc: {  	[tilespmem:s5], [sflag:$0x3] =	stream.indirect_vreg.gather [hbm4b:s9+s4], $0x80, v2, vm0, $0xb8;
	[tilespmem:$0x18000] =	vst v63  }
0x1cd: {  	_ = 	snop  }
0x1ce: {  	[tilespmem:s6], [sflag:$0x3] =	stream.indirect_vreg.gather [hbm4b:s10+s4], $0x80, v2, vm0, $0xb8;
	[tilespmem:$0x18000] =	vst v63  }
0x1cf: {  	_ = 	snop  }
0x1d0: {  	[tilespmem:s21], [sflag:$0x3] =	stream.indirect_vreg.gather [hbm4b:s11+s4], $0x80, v2, vm0, $0xb8;
	[tilespmem:$0x18000] =	vst v63  }
0x1d1: {  	_ = 	snop  }
0x1d2: {  	[tilespmem:s23], [sflag:$0x3] =	stream.indirect_vreg.gather [hbm4b:s12+s4], $0x80, v2, vm0, $0xb8;
	[tilespmem:$0x18000] =	vst v63  }
0x1d3: {  	_ = 	snop  }
0x1d4: {  	[tilespmem:s28], [sflag:$0x3] =	stream.indirect_vreg.gather [hbm4b:s13+s4], $0x80, v2, vm0, $0xb8;
	[tilespmem:$0x18000] =	vst v63  }
0x1d5: {  	_ = 	snop  }
0x1d6: {  	[tilespmem:s29], [sflag:$0x3] =	stream.indirect_vreg.gather [hbm4b:s14+s4], $0x80, v2, vm0, $0xb8;
	[tilespmem:$0x18000] =	vst v63  }
0x1d7: {  	v2 =	vld.msk [tilespmem:s24+$0x4380], $0x3;
	_ =	sdelay $0x4  }
0x1d8: {  	v3 =	vshll.u32 v2, $0x6  }
0x1d9: {  	v2 =	vand.u32 $0x7, v2;
	v3 =	vand.u32 $0xFFFFFE00, v3  }
0x1da: {  	v2 =	vor.u32 v2, v3  }
0x1db: {  	v2 =	vperm.xlane v2, v0;
	_ =	sdelay $0x1  }
0x1dc: {  	v2 =	vadd.s32 v1, v2;
	_ =	sdelay $0x3  }
0x1dd: {  	s13 =	simm.s32 $0x14000  }
0x1de: {  	[hbm4b:s7+s4] =	stream.indirect_vreg.scatter [tilespmem:s13], [sflag:$0x8], $0x80, v2, vm0, $0xb8;
	[tilespmem:$0x18000] =	vst v63  }
0x1df: {  	s14 =	simm.s32 $0x14800  }
0x1e0: {  	[hbm4b:s15+s4] =	stream.indirect_vreg.scatter [tilespmem:s14], [sflag:$0x8], $0x80, v2, vm0, $0xb8;
	[tilespmem:$0x18000] =	vst v63  }
0x1e1: {  	s15 =	simm.s32 $0x15000  }
0x1e2: {  	[hbm4b:s16+s4] =	stream.indirect_vreg.scatter [tilespmem:s15], [sflag:$0x8], $0x80, v2, vm0, $0xb8;
	[tilespmem:$0x18000] =	vst v63  }
0x1e3: {  	p0 =	sne.s32 s22, $0xE800;
	s22 =	sadd.s32 $0x800, s22;
	s16 =	simm.s32 $0x15800  }
0x1e4: {  	[hbm4b:s17+s4] =	stream.indirect_vreg.scatter [tilespmem:s16], [sflag:$0x8], $0x80, v2, vm0, $0xb8;
	[tilespmem:$0x18000] =	vst v63  }
0x1e5: {  	s2 =	simm.s32 $0x10800;
	s30 =	simm.s32 $0xB000;
	s17 =	simm.s32 $0x16000  }
0x1e6: {  	[hbm4b:s18+s4] =	stream.indirect_vreg.scatter [tilespmem:s17], [sflag:$0x8], $0x80, v2, vm0, $0xb8;
	[tilespmem:$0x18000] =	vst v63  }
0x1e7: {  	s31 =	simm.s32 $0xB800;
	s25 =	simm.s32 $0x10000;
	s18 =	simm.s32 $0x16800  }
0x1e8: {  	[hbm4b:s19+s4] =	stream.indirect_vreg.scatter [tilespmem:s18], [sflag:$0x8], $0x80, v2, vm0, $0xb8;
	[tilespmem:$0x18000] =	vst v63  }
.Ltmp0:
0x1e9: {  	s8 =	simm.s32 $0x11000;
	s5 =	simm.s32 $0x11800;
	(pc) =	sbr.rel @p0 .LBB2_2-.Ltmp0, $4  }
0x1ea: {  	s6 =	simm.s32 $0x12000;
	s21 =	simm.s32 $0x12800;
	s24 =	simm.s32 $0x17000  }
0x1eb: {  	[hbm4b:s20+s4] =	stream.indirect_vreg.scatter [tilespmem:s24], [sflag:$0x8], $0x80, v2, vm0, $0xb8;
	[tilespmem:$0x18000] =	vst v63  }
0x1ec: {  	s23 =	simm.s32 $0x13000;
	s28 =	simm.s32 $0x13800;
	s29 =	simm.s32 $0x17800  }
0x1ed: {  	[hbm4b:s26+s4] =	stream.indirect_vreg.scatter [tilespmem:s29], [sflag:$0x8], $0x80, v2, vm0, $0xb8;
	[tilespmem:$0x18000] =	vst v63  }
0x1ee: {  	s0 =	simm.s32 $0x1  }
0x1ef: {  	_ =	swait.ge [sflag:s0], $0x4000  }
0x1f0: {  	[sflag:s0] =	ssyncset.done $0x0  }
0x1f1: {  	[sflag:s0] =	ssyncadd.s32 $0xFFFFC000  }
0x1f2: {  	v2 =	vld.msk [tilespmem:$0x7E00], $0x3;
	_ =	sdelay $0x4  }
0x1f3: {  	v3 =	vshll.u32 v2, $0x6  }
0x1f4: {  	v2 =	vand.u32 $0x7, v2;
	v3 =	vand.u32 $0xFFFFFE00, v3  }
0x1f5: {  	v2 =	vor.u32 v2, v3  }
0x1f6: {  	v2 =	vperm.xlane v2, v0;
	_ =	sdelay $0x1  }
0x1f7: {  	v2 =	vadd.s32 v1, v2;
	_ =	sdelay $0x3  }
0x1f8: {  	s10 =	simm.s32 $0x8000;
	s3 =	rddreg [dreg:$0x2]  }
0x1f9: {  	[hbm4b:s3+s4] =	stream.indirect_vreg.scatter [tilespmem:s10], [sflag:$0x5], $0x80, v2, vm0, $0xb8;
	[tilespmem:$0x18000] =	vst v63  }
0x1fa: {  	s1 =	simm.s32 $0x8800;
	s7 =	rddreg [dreg:$0xe]  }
0x1fb: {  	[hbm4b:s7+s4] =	stream.indirect_vreg.scatter [tilespmem:s1], [sflag:$0x5], $0x80, v2, vm0, $0xb8;
	[tilespmem:$0x18000] =	vst v63  }
0x1fc: {  	s11 =	simm.s32 $0x9000;
	s14 =	rddreg [dreg:$0xf]  }
0x1fd: {  	[hbm4b:s14+s4] =	stream.indirect_vreg.scatter [tilespmem:s11], [sflag:$0x5], $0x80, v2, vm0, $0xb8;
	[tilespmem:$0x18000] =	vst v63  }
0x1fe: {  	s12 =	simm.s32 $0x9800;
	s9 =	rddreg [dreg:$0x10]  }
0x1ff: {  	[hbm4b:s9+s4] =	stream.indirect_vreg.scatter [tilespmem:s12], [sflag:$0x5], $0x80, v2, vm0, $0xb8;
	[tilespmem:$0x18000] =	vst v63  }
0x200: {  	s13 =	simm.s32 $0xA000;
	s10 =	rddreg [dreg:$0x11]  }
0x201: {  	[hbm4b:s10+s4] =	stream.indirect_vreg.scatter [tilespmem:s13], [sflag:$0x5], $0x80, v2, vm0, $0xb8;
	[tilespmem:$0x18000] =	vst v63  }
0x202: {  	s15 =	simm.s32 $0xA800;
	s11 =	rddreg [dreg:$0x12]  }
0x203: {  	[hbm4b:s11+s4] =	stream.indirect_vreg.scatter [tilespmem:s15], [sflag:$0x5], $0x80, v2, vm0, $0xb8;
	[tilespmem:$0x18000] =	vst v63  }
0x204: {  	s13 =	rddreg [dreg:$0x13]  }
0x205: {  	[hbm4b:s13+s4] =	stream.indirect_vreg.scatter [tilespmem:s30], [sflag:$0x5], $0x80, v2, vm0, $0xb8;
	[tilespmem:$0x18000] =	vst v63  }
0x206: {  	s26 =	simm.s32 $0x8;
	s12 =	rddreg [dreg:$0x14]  }
0x207: {  	[hbm4b:s12+s4] =	stream.indirect_vreg.scatter [tilespmem:s31], [sflag:$0x5], $0x80, v2, vm0, $0xb8;
	[tilespmem:$0x18000] =	vst v63  }
0x208: {  	_ =	swait.ge [sflag:s26], $0x4000  }
0x209: {  	[sflag:s26] =	ssyncset.done $0x0  }
0x20a: {  	[sflag:s26] =	ssyncadd.s32 $0xFFFFC000  }
0x20b: {  	v2 =	vld.msk [tilespmem:$0x3F80], $0x3;
	_ =	sdelay $0x4  }
0x20c: {  	v3 =	vshll.u32 v2, $0x6  }
0x20d: {  	v2 =	vand.u32 $0x7, v2;
	v3 =	vand.u32 $0xFFFFFE00, v3  }
0x20e: {  	v2 =	vor.u32 v2, v3  }
0x20f: {  	v2 =	vperm.xlane v2, v0;
	_ =	sdelay $0x1  }
0x210: {  	v2 =	vadd.s32 v1, v2;
	_ =	sdelay $0x3  }
0x211: {  	s15 =	simm.s32 $0x14000;
	s16 =	rddreg [dreg:$0x0]  }
0x212: {  	[tilespmem:s15], [sflag:$0x4] =	stream.indirect_vreg.gather [hbm4b:s16+s4], $0x80, v2, vm0, $0xb8;
	[tilespmem:$0x18000] =	vst v63  }
0x213: {  	s17 =	rddreg [dreg:$0x7];
	s16 =	simm.s32 $0x14800  }
0x214: {  	[tilespmem:s16], [sflag:$0x4] =	stream.indirect_vreg.gather [hbm4b:s17+s4], $0x80, v2, vm0, $0xb8;
	[tilespmem:$0x18000] =	vst v63  }
0x215: {  	s18 =	rddreg [dreg:$0x8];
	s17 =	simm.s32 $0x15000  }
0x216: {  	[tilespmem:s17], [sflag:$0x4] =	stream.indirect_vreg.gather [hbm4b:s18+s4], $0x80, v2, vm0, $0xb8;
	[tilespmem:$0x18000] =	vst v63  }
0x217: {  	s19 =	rddreg [dreg:$0x9];
	s18 =	simm.s32 $0x15800  }
0x218: {  	[tilespmem:s18], [sflag:$0x4] =	stream.indirect_vreg.gather [hbm4b:s19+s4], $0x80, v2, vm0, $0xb8;
	[tilespmem:$0x18000] =	vst v63  }
0x219: {  	s20 =	rddreg [dreg:$0xa];
	s19 =	simm.s32 $0x16000  }
0x21a: {  	[tilespmem:s19], [sflag:$0x4] =	stream.indirect_vreg.gather [hbm4b:s20+s4], $0x80, v2, vm0, $0xb8;
	[tilespmem:$0x18000] =	vst v63  }
0x21b: {  	s22 =	rddreg [dreg:$0xb];
	s20 =	simm.s32 $0x16800  }
0x21c: {  	[tilespmem:s20], [sflag:$0x4] =	stream.indirect_vreg.gather [hbm4b:s22+s4], $0x80, v2, vm0, $0xb8;
	[tilespmem:$0x18000] =	vst v63  }
0x21d: {  	s24 =	rddreg [dreg:$0xc];
	s22 =	simm.s32 $0x17000  }
0x21e: {  	[tilespmem:s22], [sflag:$0x4] =	stream.indirect_vreg.gather [hbm4b:s24+s4], $0x80, v2, vm0, $0xb8;
	[tilespmem:$0x18000] =	vst v63  }
0x21f: {  	s30 =	simm.s32 $0x2;
	s29 =	rddreg [dreg:$0xd];
	s24 =	simm.s32 $0x17800  }
0x220: {  	[tilespmem:s24], [sflag:$0x4] =	stream.indirect_vreg.gather [hbm4b:s29+s4], $0x80, v2, vm0, $0xb8;
	[tilespmem:$0x18000] =	vst v63  }
0x221: {  	_ =	swait.ge [sflag:s30], $0x4000  }
0x222: {  	[sflag:s30] =	ssyncset.done $0x0  }
0x223: {  	[sflag:s30] =	ssyncadd.s32 $0xFFFFC000  }
0x224: {  	v2 =	vld.msk [tilespmem:$0x7E80], $0x3;
	_ =	sdelay $0x4  }
0x225: {  	v3 =	vshll.u32 v2, $0x6  }
0x226: {  	v2 =	vand.u32 $0x7, v2;
	v3 =	vand.u32 $0xFFFFFE00, v3  }
0x227: {  	v2 =	vor.u32 v2, v3  }
0x228: {  	v2 =	vperm.xlane v2, v0;
	_ =	sdelay $0x1  }
0x229: {  	v2 =	vadd.s32 v1, v2;
	_ =	sdelay $0x3  }
0x22a: {  	s31 =	simm.s32 $0xC000  }
0x22b: {  	[hbm4b:s3+s4] =	stream.indirect_vreg.scatter [tilespmem:s31], [sflag:$0x6], $0x80, v2, vm0, $0xb8;
	[tilespmem:$0x18000] =	vst v63  }
0x22c: {  	s1 =	simm.s32 $0xC800  }
0x22d: {  	[hbm4b:s7+s4] =	stream.indirect_vreg.scatter [tilespmem:s1], [sflag:$0x6], $0x80, v2, vm0, $0xb8;
	[tilespmem:$0x18000] =	vst v63  }
0x22e: {  	s29 =	simm.s32 $0xD000  }
0x22f: {  	[hbm4b:s14+s4] =	stream.indirect_vreg.scatter [tilespmem:s29], [sflag:$0x6], $0x80, v2, vm0, $0xb8;
	[tilespmem:$0x18000] =	vst v63  }
0x230: {  	s30 =	simm.s32 $0xD800  }
0x231: {  	[hbm4b:s9+s4] =	stream.indirect_vreg.scatter [tilespmem:s30], [sflag:$0x6], $0x80, v2, vm0, $0xb8;
	[tilespmem:$0x18000] =	vst v63  }
0x232: {  	s31 =	simm.s32 $0xE000  }
0x233: {  	[hbm4b:s10+s4] =	stream.indirect_vreg.scatter [tilespmem:s31], [sflag:$0x6], $0x80, v2, vm0, $0xb8;
	[tilespmem:$0x18000] =	vst v63  }
0x234: {  	s1 =	simm.s32 $0xE800  }
0x235: {  	[hbm4b:s11+s4] =	stream.indirect_vreg.scatter [tilespmem:s1], [sflag:$0x6], $0x80, v2, vm0, $0xb8;
	[tilespmem:$0x18000] =	vst v63  }
0x236: {  	s29 =	simm.s32 $0xF000  }
0x237: {  	[hbm4b:s13+s4] =	stream.indirect_vreg.scatter [tilespmem:s29], [sflag:$0x6], $0x80, v2, vm0, $0xb8;
	[tilespmem:$0x18000] =	vst v63  }
0x238: {  	s30 =	simm.s32 $0xF800;
	s31 =	simm.s32 $0x5  }
0x239: {  	[hbm4b:s12+s4] =	stream.indirect_vreg.scatter [tilespmem:s30], [sflag:$0x6], $0x80, v2, vm0, $0xb8;
	[tilespmem:$0x18000] =	vst v63  }
0x23a: {  	_ =	swait.ge [sflag:s31], $0x4000  }
0x23b: {  	[sflag:s31] =	ssyncset.done $0x0  }
0x23c: {  	s1 =	simm.s32 $0x3;
	[sflag:s31] =	ssyncadd.s32 $0xFFFFC000  }
0x23d: {  	_ =	swait.ge [sflag:s1], $0x4000  }
0x23e: {  	[sflag:s1] =	ssyncset.done $0x0  }
0x23f: {  	[sflag:s1] =	ssyncadd.s32 $0xFFFFC000  }
0x240: {  	v2 =	vld.msk [tilespmem:$0x7F00], $0x3;
	_ =	sdelay $0x4  }
0x241: {  	v3 =	vshll.u32 v2, $0x6  }
0x242: {  	v2 =	vand.u32 $0x7, v2;
	v3 =	vand.u32 $0xFFFFFE00, v3  }
0x243: {  	v2 =	vor.u32 v2, v3  }
0x244: {  	v2 =	vperm.xlane v2, v0;
	_ =	sdelay $0x1  }
0x245: {  	v2 =	vadd.s32 v1, v2;
	_ =	sdelay $0x4  }
0x246: {  	[hbm4b:s3+s4] =	stream.indirect_vreg.scatter [tilespmem:s25], [sflag:$0x7], $0x80, v2, vm0, $0xb8;
	[tilespmem:$0x18000] =	vst v63  }
0x247: {  	_ = 	snop  }
0x248: {  	[hbm4b:s7+s4] =	stream.indirect_vreg.scatter [tilespmem:s2], [sflag:$0x7], $0x80, v2, vm0, $0xb8;
	[tilespmem:$0x18000] =	vst v63  }
0x249: {  	_ = 	snop  }
0x24a: {  	[hbm4b:s14+s4] =	stream.indirect_vreg.scatter [tilespmem:s8], [sflag:$0x7], $0x80, v2, vm0, $0xb8;
	[tilespmem:$0x18000] =	vst v63  }
0x24b: {  	_ = 	snop  }
0x24c: {  	[hbm4b:s9+s4] =	stream.indirect_vreg.scatter [tilespmem:s5], [sflag:$0x7], $0x80, v2, vm0, $0xb8;
	[tilespmem:$0x18000] =	vst v63  }
0x24d: {  	_ = 	snop  }
0x24e: {  	[hbm4b:s10+s4] =	stream.indirect_vreg.scatter [tilespmem:s6], [sflag:$0x7], $0x80, v2, vm0, $0xb8;
	[tilespmem:$0x18000] =	vst v63  }
0x24f: {  	_ = 	snop  }
0x250: {  	[hbm4b:s11+s4] =	stream.indirect_vreg.scatter [tilespmem:s21], [sflag:$0x7], $0x80, v2, vm0, $0xb8;
	[tilespmem:$0x18000] =	vst v63  }
0x251: {  	_ = 	snop  }
0x252: {  	[hbm4b:s13+s4] =	stream.indirect_vreg.scatter [tilespmem:s23], [sflag:$0x7], $0x80, v2, vm0, $0xb8;
	[tilespmem:$0x18000] =	vst v63  }
0x253: {  	s25 =	simm.s32 $0x6  }
0x254: {  	[hbm4b:s12+s4] =	stream.indirect_vreg.scatter [tilespmem:s28], [sflag:$0x7], $0x80, v2, vm0, $0xb8;
	[tilespmem:$0x18000] =	vst v63  }
0x255: {  	_ =	swait.ge [sflag:s25], $0x4000  }
0x256: {  	[sflag:s25] =	ssyncset.done $0x0  }
0x257: {  	s28 =	simm.s32 $0x4;
	[sflag:s25] =	ssyncadd.s32 $0xFFFFC000  }
0x258: {  	_ =	swait.ge [sflag:s28], $0x4000  }
0x259: {  	[sflag:s28] =	ssyncset.done $0x0  }
0x25a: {  	[sflag:s28] =	ssyncadd.s32 $0xFFFFC000  }
0x25b: {  	v2 =	vld.msk [tilespmem:$0x7F80], $0x3;
	_ =	sdelay $0x4  }
0x25c: {  	v3 =	vshll.u32 v2, $0x6  }
0x25d: {  	v2 =	vand.u32 $0x7, v2;
	v3 =	vand.u32 $0xFFFFFE00, v3  }
0x25e: {  	v2 =	vor.u32 v2, v3  }
0x25f: {  	v2 =	vperm.xlane v2, v0;
	_ =	sdelay $0x1  }
0x260: {  	v2 =	vadd.s32 v1, v2;
	_ =	sdelay $0x4  }
0x261: {  	[hbm4b:s3+s4] =	stream.indirect_vreg.scatter [tilespmem:s15], [sflag:$0x8], $0x80, v2, vm0, $0xb8;
	[tilespmem:$0x18000] =	vst v63  }
0x262: {  	_ = 	snop  }
0x263: {  	[hbm4b:s7+s4] =	stream.indirect_vreg.scatter [tilespmem:s16], [sflag:$0x8], $0x80, v2, vm0, $0xb8;
	[tilespmem:$0x18000] =	vst v63  }
0x264: {  	_ = 	snop  }
0x265: {  	[hbm4b:s14+s4] =	stream.indirect_vreg.scatter [tilespmem:s17], [sflag:$0x8], $0x80, v2, vm0, $0xb8;
	[tilespmem:$0x18000] =	vst v63  }
0x266: {  	_ = 	snop  }
0x267: {  	[hbm4b:s9+s4] =	stream.indirect_vreg.scatter [tilespmem:s18], [sflag:$0x8], $0x80, v2, vm0, $0xb8;
	[tilespmem:$0x18000] =	vst v63  }
0x268: {  	_ = 	snop  }
0x269: {  	[hbm4b:s10+s4] =	stream.indirect_vreg.scatter [tilespmem:s19], [sflag:$0x8], $0x80, v2, vm0, $0xb8;
	[tilespmem:$0x18000] =	vst v63  }
0x26a: {  	_ = 	snop  }
0x26b: {  	[hbm4b:s11+s4] =	stream.indirect_vreg.scatter [tilespmem:s20], [sflag:$0x8], $0x80, v2, vm0, $0xb8;
	[tilespmem:$0x18000] =	vst v63  }
0x26c: {  	_ = 	snop  }
0x26d: {  	[hbm4b:s13+s4] =	stream.indirect_vreg.scatter [tilespmem:s22], [sflag:$0x8], $0x80, v2, vm0, $0xb8;
	[tilespmem:$0x18000] =	vst v63  }
0x26e: {  	s29 =	simm.s32 $0x7  }
0x26f: {  	[hbm4b:s12+s4] =	stream.indirect_vreg.scatter [tilespmem:s24], [sflag:$0x8], $0x80, v2, vm0, $0xb8;
	[tilespmem:$0x18000] =	vst v63  }
0x270: {  	_ =	swait.ge [sflag:s29], $0x4000  }
0x271: {  	[sflag:s29] =	ssyncset.done $0x0  }
0x272: {  	[sflag:s29] =	ssyncadd.s32 $0xFFFFC000  }
0x273: {  	_ =	swait.ge [sflag:s26], $0x4000  }
0x274: {  	s30 =	rddreg [dreg:$0x15]  }
0x275: {  	s31 =	rddreg [dreg:$0x6];
	s0 =	sadd.s32 $0x1, s30  }
0x276: {  	p0 =	sne.s32 s0, s31  }
.Ltmp1:
0x277: {  	_ = 	snop;
	(pc) =	sbr.rel @p0 .LBB2_1-.Ltmp1, $3  }
0x278: {  	_ =	sdelay $0x1  }
0x279: {  	[sflag:s26] =	ssyncset.done $0x0  }
0x27a: {  	[sflag:s26] =	ssyncadd.s32 $0xFFFFC000  }
0x27b: {  	_ =	sfence.sel $0x180000  }
0x27c: {  	[bflag:$0x0] =	sbarrier.arrive $0xFFFF  }
0x27d: {  	_ =	strace $0x90000047  }
0x27e: {  	s0 =	stileid.u32;
	[bflag:$0x2] =	sbarrier.arrive $0xFFFF  }
0x27f: {  	p0 =	sne.s32 s0, $0x0;
	s0 =	rddreg [dreg:$0x3]  }
0x280: {  	s0 =	sadd.s32 @!p0 $0x100000, s0  }
0x281: {  	[sflag:s0] =	ssyncadd.tile.s32 @!p0 $0x1;
	_ =	shalt  }
.Lfunc_end2:
_tile_overlayer_lowered:
.L_overlay_start_2:
0x282: {  	(tag) =	ssettag $0x2  }
0x283: {  	s0 =	rddreg [dreg:$0x0];
	s2 =	stileid.u32  }
0x284: {  	s1 =	rddreg [dreg:$0x1];
	p0 =	sne.s32 s2, $0x0  }
0x285: {  	s3 =	rddreg [dreg:$0x2];
	[bflag:$0x3] =	sbarrier.arrive $0xFFFF;
	s2 =	simm.s32 @!p0 $0x1C09  }
0x286: {  	[timem:s3], [sflag:s2] =	dma.local @!p0 [hbm:s0], s1  }
0x287: {  	s0 =	simm.s32 @!p0 $0x9  }
0x288: {  	_ =	swait.ge @!p0 [sflag:s0], s1  }
0x289: {  	s1 =	ssub.s32 @!p0 $0x0, s1;
	[sflag:s0] =	ssyncset.done @!p0 $0x0  }
0x28a: {  	[sflag:s0] =	ssyncadd.s32 @!p0 s1  }
0x28b: {  	[bflag:$0x3] =	sbarrier.arrive $0xFFFF  }
0x28c: {  	_ =	shalt  }

</sc_bundles>
